<compile_context>
chip_gen: v7x
topology: tpu7x:2x2x1
jax: 0.10.2.dev20260603
libtpu: 0.0.44.dev20260713+nightly
codegen_flags: <defaults>
</compile_context>

<pallas_src>
import functools
import math

import jax
import jax.numpy as jnp
from jax import lax
from jax.experimental import pallas as pl
from jax.experimental.pallas import tpu as pltpu
from jax.experimental.pallas import tpu_sc as plsc

_NC = 2
_NS = 16
_NW = _NC * _NS


def _vgather(v, idx):
    return lax.gather(
        v, idx[:, None],
        lax.GatherDimensionNumbers(offset_dims=(), collapsed_slice_dims=(0,),
                                   start_index_map=(0,)),
        slice_sizes=(1,), mode=lax.GatherScatterMode.PROMISE_IN_BOUNDS)


def _block_diag(w):
    h, d, _ = w.shape
    eye = jnp.eye(h, dtype=w.dtype)
    out = jnp.einsum('hij,hg->higj', w, eye).reshape(h * d, h * d)
    return out



def _p1_body(x_ref, t_ref,
             wq0, wq1, bq0, bq1,
             wk0, wk1, bk0, bk1,
             wv0, wv1, bv0, bv1,
             bda0, bda1, bdm0, bdm1,
             q_out, k2_out, v2_out):
    x = x_ref[...]
    m0 = t_ref[...] == 0.0
    dot = functools.partial(jnp.dot, preferred_element_type=jnp.float32)
    q = jnp.where(m0, dot(x, wq0[...]) + bq0[...], dot(x, wq1[...]) + bq1[...])
    k = jnp.where(m0, dot(x, wk0[...]) + bk0[...], dot(x, wk1[...]) + bk1[...])
    v = jnp.where(m0, dot(x, wv0[...]) + bv0[...], dot(x, wv1[...]) + bv1[...])
    q_out[...] = q
    k2_out[:, 0, :] = dot(k, bda0[...])
    k2_out[:, 1, :] = dot(k, bda1[...])
    v2_out[:, 0, :] = dot(v, bdm0[...])
    v2_out[:, 1, :] = dot(v, bdm1[...])


def _run_p1(x, tf, wq, bq, wk, bk, wv, bv, bda, bdm):
    n, d = x.shape
    blk = 400
    grid = n // blk
    full = pl.BlockSpec((d, d), lambda i: (0, 0))
    fullb = pl.BlockSpec((1, d), lambda i: (0, 0))
    return pl.pallas_call(
        _p1_body,
        grid=(grid,),
        in_specs=[
            pl.BlockSpec((blk, d), lambda i: (i, 0)),
            pl.BlockSpec((blk, 1), lambda i: (i, 0)),
            full, full, fullb, fullb,
            full, full, fullb, fullb,
            full, full, fullb, fullb,
            full, full, full, full,
        ],
        out_specs=[
            pl.BlockSpec((blk, d), lambda i: (i, 0)),
            pl.BlockSpec((blk, 2, d), lambda i: (i, 0, 0)),
            pl.BlockSpec((blk, 2, d), lambda i: (i, 0, 0)),
        ],
        out_shape=[
            jax.ShapeDtypeStruct((n, d), jnp.float32),
            jax.ShapeDtypeStruct((n, 2, d), jnp.float32),
            jax.ShapeDtypeStruct((n, 2, d), jnp.float32),
        ],
    )(x, tf,
      wq[0], wq[1], bq[0][None], bq[1][None],
      wk[0], wk[1], bk[0][None], bk[1][None],
      wv[0], wv[1], bv[0][None], bv[1][None],
      bda[0], bda[1], bdm[0], bdm[1])



def _sc_fused(qh, k2h, v2h, dst, dst8, soff, k2i, mi, zeros_init,
              n, e, c, mr, np_):
    ew = e // _NW
    nch = ew // c
    nr = n // 8
    d = qh.shape[1]
    mesh = plsc.VectorSubcoreMesh(core_axis_name="c", subcore_axis_name="s")

    @functools.partial(
        pl.kernel, mesh=mesh,
        out_type=[
            jax.ShapeDtypeStruct((n, 16), jnp.float32),
            jax.ShapeDtypeStruct((2, nr, d), jnp.float32),
            jax.ShapeDtypeStruct((np_, d), jnp.float32),
        ],
        scratch_types=[
            pltpu.VMEM((c,), jnp.int32),
            pltpu.VMEM((c,), jnp.int32),
            pltpu.VMEM((c + 16,), jnp.int32),
            pltpu.VMEM((c,), jnp.int32),
            pltpu.VMEM((c, d), jnp.float32),
            pltpu.VMEM((c, d), jnp.float32),
            pltpu.VMEM((c, d), jnp.float32),
            pltpu.VMEM((c, 16), jnp.float32),
            pltpu.VMEM((mr,), jnp.int32),
            pltpu.VMEM((mr, d), jnp.float32),
            pltpu.VMEM_SHARED((nr, d), jnp.float32),
            pltpu.SemaphoreType.DMA,
        ],
    )
    def k(qh_h, k2h_h, v2h_h, dst_h, dst8_h, soff_h, k2i_h, mi_h, zero_h,
          rows_o, part_o, mg_o,
          dstb, d8b, sob, k2b, bq, bk2, rb, rb16, mib, mb, acc, sem):
        cid = lax.axis_index("c")
        sid = lax.axis_index("s")

        @pl.when(sid == 0)
        def _():
            pltpu.sync_copy(zero_h, acc)

        plsc.subcore_barrier()

        wid = sid * _NC + cid
        iota = lax.iota(jnp.int32, 16)
        zv = jnp.zeros((16,), jnp.float32)

        def chunk(i, carry):
            base = wid * ew + i * c
            pltpu.sync_copy(dst_h.at[pl.ds(base, c)], dstb)
            pltpu.sync_copy(dst8_h.at[pl.ds(base, c)], d8b)
            pltpu.sync_copy(soff_h.at[pl.ds(base, c)], sob.at[pl.ds(0, c)])
            pltpu.sync_copy(k2i_h.at[pl.ds(base, c)], k2b)
            dq = pltpu.async_copy(qh_h.at[dstb], bq, sem)
            dk = pltpu.async_copy(k2h_h.at[k2b], bk2, sem)
            dq.wait()
            dk.wait()

            def edge(j, carry2):
                accv = jnp.zeros((16,), jnp.float32)
                for h in range(8):
                    qv = bq[j, pl.ds(h * 16, 16)]
                    kv = bk2[j, pl.ds(h * 16, 16)]
                    s = qv * kv
                    for sh in (8, 4, 2, 1):
                        s = s + _vgather(s, jnp.bitwise_xor(iota, sh))
                    accv = jnp.where(iota == h, s, accv)
                ex = jnp.exp(accv)
                first = jnp.where(iota < 8, ex,
                                  jnp.where(iota == 8, 1.0, 0.0))
                rb16[j, :] = first
                so = sob[pl.ds(j, 16)][0]
                for slot in range(8):
                    rb[j, pl.ds(slot * 16, 16)] = jnp.where(
                        so == slot * 16, first, zv)
                return carry2

            lax.fori_loop(0, c, edge, 0)
            pltpu.sync_copy(rb, acc.at[d8b], add=True)

            @pl.when(base < n)
            def _():
                pltpu.sync_copy(rb16, rows_o.at[pl.ds(base, c)])

            return carry

        lax.fori_loop(0, nch, chunk, 0)

        mbase = wid * mr
        pltpu.sync_copy(mi_h.at[pl.ds(mbase, mr)], mib)
        pltpu.async_copy(v2h_h.at[mib], mb, sem).wait()
        pltpu.sync_copy(mb, mg_o.at[pl.ds(mbase, mr)])

        plsc.subcore_barrier()

        @pl.when(sid == 0)
        def _():
            pltpu.sync_copy(acc, part_o.at[cid])

    return k(qh, k2h, v2h, dst, dst8, soff, k2i, mi, zeros_init)



def _sc_seg_gather(p0, p1, dstn, np_, mr):
    mesh = plsc.VectorSubcoreMesh(core_axis_name="c", subcore_axis_name="s")

    @functools.partial(
        pl.kernel, mesh=mesh,
        out_type=jax.ShapeDtypeStruct((np_, 128), jnp.float32),
        scratch_types=[
            pltpu.VMEM((mr,), jnp.int32),
            pltpu.VMEM((mr, 128), jnp.float32),
            pltpu.VMEM((mr, 128), jnp.float32),
            pltpu.SemaphoreType.DMA,
        ],
    )
    def k(p0_h, p1_h, dstn_h, seg_o, ib, b0, b1, sem):
        wid = lax.axis_index("s") * _NC + lax.axis_index("c")
        base = wid * mr
        pltpu.sync_copy(dstn_h.at[pl.ds(base, mr)], ib)
        pltpu.async_copy(p0_h.at[ib], b0, sem).wait()
        pltpu.async_copy(p1_h.at[ib], b1, sem).wait()

        def add1(i, carry):
            b0[i, :] = b0[i, :] + b1[i, :]
            return carry

        lax.fori_loop(0, mr, add1, 0)
        pltpu.sync_copy(b0, seg_o.at[pl.ds(base, mr)])

    return k(p0, p1, dstn)



def _p3_body(ex_ref, sg_ref, dm_ref, p0_ref, p1_ref, msg_ref, x_ref,
             wm0, wm1, wm2, wa0, wa1, wa2, wq, bq, wkey, bkey, out_ref):
    dot = functools.partial(jnp.dot, preferred_element_type=jnp.float32)
    ex = ex_ref[...][:, 0:8]
    sg = sg_ref[...]
    dm = dm_ref[...]
    bsz = sg.shape[0]
    seg16 = jnp.zeros((bsz, 16), jnp.float32)
    for s in range(8):
        seg16 = seg16 + jnp.where(dm == float(s),
                                  sg[:, s * 16:(s + 1) * 16], 0.0)
    ss = seg16[:, 0:8]
    att = ex / (ss + 1e-16)
    deg = p0_ref[...][:, 8:9] + p1_ref[...][:, 8:9]
    m = msg_ref[...]
    b = m.shape[0]
    att128 = jnp.concatenate(
        [jnp.broadcast_to(att[:, h:h + 1], (b, 16)) for h in range(8)], axis=1)
    r1 = m * att128
    r2 = m * m * att128
    r3 = m * m * m * att128
    agg1 = deg * r1
    agg2 = deg * r2
    agg3 = deg * r3
    agg3 = jnp.sign(agg3) * jnp.exp(
        jnp.log(jnp.abs(agg3) + 1e-18) * (1.0 / 3.0))
    g1 = dot(agg1, wm0[...])
    g2 = dot(agg2, wm1[...])
    g3 = dot(agg3, wm2[...])
    qn = dot(x_ref[...], wq[...]) + bq[...]
    res = jnp.zeros((b, m.shape[1]), jnp.float32)
    for g, wa in ((g1, wa0), (g2, wa1), (g3, wa2)):
        front = dot(qn, wa[...])
        tail = dot(g, wkey[...]) + bkey[...]
        s = jnp.sum(front * tail, axis=1, keepdims=True)
        score = 1.0 / (1.0 + jnp.exp(-s))
        res = res + score * g
    out_ref[...] = res


def _run_p3(exn, segn, dm, p0, p1, msgn, x, wmk, wak, wq, bq, wkey, bkey):
    n, d = x.shape
    blk = 400
    grid = n // blk
    full = pl.BlockSpec((d, d), lambda i: (0, 0))
    fullb = pl.BlockSpec((1, d), lambda i: (0, 0))
    row16 = pl.BlockSpec((blk, 16), lambda i: (i, 0))
    return pl.pallas_call(
        _p3_body,
        grid=(grid,),
        in_specs=[
            row16,
            pl.BlockSpec((blk, d), lambda i: (i, 0)),
            pl.BlockSpec((blk, 1), lambda i: (i, 0)),
            row16, row16,
            pl.BlockSpec((blk, d), lambda i: (i, 0)),
            pl.BlockSpec((blk, d), lambda i: (i, 0)),
            full, full, full, full, full, full,
            full, fullb, full, fullb,
        ],
        out_specs=pl.BlockSpec((blk, d), lambda i: (i, 0)),
        out_shape=jax.ShapeDtypeStruct((n, d), jnp.float32),
    )(exn, segn, dm, p0, p1, msgn, x,
      wmk[0], wmk[1], wmk[2], wak[0], wak[1], wak[2],
      wq, bq[None], wkey, bkey[None])



def kernel(node_inp, node_type, edge_index, edge_type, edge_time,
           Wk, bk, Wq, bq, Wv, bv, rel_pri, rel_att, rel_msg,
           WMk, Wak, Wquery, bquery, Wkey, bkey):
    n, in_dim = node_inp.shape
    e = edge_index.shape[1]
    num_rel, n_heads, d_k, _ = rel_att.shape
    sqrt_dk = math.sqrt(d_k)

    src = edge_index[0].astype(jnp.int32)
    dst = edge_index[1].astype(jnp.int32)
    et = edge_type.astype(jnp.int32)
    k2idx = src * num_rel + et

    tf = node_type.astype(jnp.float32).reshape(n, 1)
    bda = [_block_diag(rel_att[r] * (rel_pri[r][:, None, None] / sqrt_dk))
           for r in range(num_rel)]
    bdm = [_block_diag(rel_msg[r]) for r in range(num_rel)]

    qh, k2, v2 = _run_p1(node_inp, tf, Wq, bq, Wk, bk, Wv, bv, bda, bdm)
    k2 = k2.reshape(n * 2, in_dim)
    v2 = v2.reshape(n * 2, in_dim)

    mr = ((n + _NW - 1) // _NW + 7) // 8 * 8
    np_ = _NW * mr
    pad = np_ - n
    mi = jnp.concatenate([k2idx[:n], jnp.zeros((pad,), jnp.int32)])

    dst8 = dst // 8
    soff = (dst % 8) * 16
    dstn8 = jnp.concatenate([dst8[:n], jnp.zeros((pad,), jnp.int32)])
    dm = (dst[:n] % 8).astype(jnp.float32).reshape(n, 1)
    zeros_init = jnp.zeros((n // 8, 128), jnp.float32)
    rows16, partials, msgg = _sc_fused(qh, k2, v2, dst, dst8, soff, k2idx,
                                       mi, zeros_init, n, e, 80, mr, np_)
    p0r = partials[0].reshape(n, 16)
    p1r = partials[1].reshape(n, 16)
    segg = _sc_seg_gather(partials[0], partials[1], dstn8, np_, mr)

    return _run_p3(rows16, segg[:n], dm, p0r, p1r, msgg[:n], node_inp,
                   WMk, Wak, Wquery, bquery, Wkey, bkey)

# --- scband reference (transcript-rebuilt; emitter-appended) ---
"""Pipeline reference for scband-general-conv-30820685316781 (READ-ONLY COPY).

The authoritative reference and input builder live on the scoring server;
editing this copy changes nothing except your own understanding.
"""

import jax, jax.numpy as jnp
import numpy as np
import math

N = 10000
E = 320000
IN_DIM = 128
OUT_DIM = 128
NUM_TYPES = 2
NUM_REL = 2
N_HEADS = 8
D_K = OUT_DIM // N_HEADS
K_MOM = 3
SQRT_DK = math.sqrt(D_K)

def _lin(k, fin, fout, n=None):
    s = 1.0 / math.sqrt(fin)
    k1, k2 = jax.random.split(k)
    shape_w = (n, fin, fout) if n is not None else (fin, fout)
    shape_b = (n, fout) if n is not None else (fout,)
    W = jax.random.uniform(k1, shape_w, minval=-s, maxval=s, dtype=jnp.float32)
    b = jax.random.uniform(k2, shape_b, minval=-s, maxval=s, dtype=jnp.float32)
    return W, b

def _glorot(k, shape):
    s = math.sqrt(6.0 / (shape[-2] + shape[-1]))
    return jax.random.uniform(k, shape, minval=-s, maxval=s, dtype=jnp.float32)

def setup_inputs(seed: int = 0):
    key = jax.random.key(seed)
    ks = jax.random.split(key, 16)
    node_inp = jax.random.normal(ks[0], (N, IN_DIM), dtype=jnp.float32)
    node_type = jax.random.randint(ks[1], (N,), 0, NUM_TYPES)
    edge_index = jax.random.randint(ks[2], (2, E), 0, N)
    edge_type = jax.random.randint(ks[3], (E,), 0, NUM_REL)
    edge_time = jax.random.randint(ks[4], (E,), 0, 100)
    Wk, bk = _lin(ks[5], IN_DIM, OUT_DIM, NUM_TYPES)
    Wq, bq = _lin(ks[6], IN_DIM, OUT_DIM, NUM_TYPES)
    Wv, bv = _lin(ks[7], IN_DIM, OUT_DIM, NUM_TYPES)
    rel_pri = jnp.ones((NUM_REL, N_HEADS), dtype=jnp.float32)
    rel_att = _glorot(ks[8], (NUM_REL, N_HEADS, D_K, D_K))
    rel_msg = _glorot(ks[9], (NUM_REL, N_HEADS, D_K, D_K))
    WMk = _glorot(ks[10], (K_MOM, OUT_DIM, OUT_DIM))
    Wak = _glorot(ks[11], (K_MOM, OUT_DIM, OUT_DIM))
    Wquery, bquery = _lin(ks[12], OUT_DIM, OUT_DIM)
    Wkey, bkey = _lin(ks[13], OUT_DIM, OUT_DIM)
    return {'node_inp': node_inp, 'node_type': node_type, 'edge_index': edge_index,
            'edge_type': edge_type, 'edge_time': edge_time, 'Wk': Wk, 'bk': bk,
            'Wq': Wq, 'bq': bq, 'Wv': Wv, 'bv': bv, 'rel_pri': rel_pri,
            'rel_att': rel_att, 'rel_msg': rel_msg, 'WMk': WMk, 'Wak': Wak,
            'Wquery': Wquery, 'bquery': bquery, 'Wkey': Wkey, 'bkey': bkey}

def _forward(node_inp, Wk, bk, Wq, bq, Wv, bv, rel_pri, rel_att, rel_msg, WMk, Wak, Wquery, bquery, Wkey, bkey, node_type, edge_index, edge_type, edge_time):
    src = edge_index[0]
    dst = edge_index[1]
    x_i = node_inp[dst]
    x_j = node_inp[src]
    nt_i = node_type[dst]
    nt_j = node_type[src]
    Ecur = src.shape[0]
    res_att = jnp.zeros((Ecur, N_HEADS), dtype=jnp.float32)
    res_msg = jnp.zeros((Ecur, N_HEADS, D_K), dtype=jnp.float32)
    for st in range(NUM_TYPES):
        k_all = (x_j @ Wk[st] + bk[st]).reshape(Ecur, N_HEADS, D_K)
        v_all = (x_j @ Wv[st] + bv[st]).reshape(Ecur, N_HEADS, D_K)
        sb = nt_j == st
        for tt in range(NUM_TYPES):
            q_all = (x_i @ Wq[tt] + bq[tt]).reshape(Ecur, N_HEADS, D_K)
            tb = (nt_i == tt) & sb
            for rt in range(NUM_REL):
                mask = (edge_type == rt) & tb
                k_mat = jnp.einsum('ehd,hdf->ehf', k_all, rel_att[rt])
                att_val = (q_all * k_mat).sum(-1) * rel_pri[rt] / SQRT_DK
                v_mat = jnp.einsum('ehd,hdf->ehf', v_all, rel_msg[rt])
                res_att = jnp.where(mask[:, None], att_val, res_att)
                res_msg = jnp.where(mask[:, None, None], v_mat, res_msg)
    seg_max = jax.lax.stop_gradient(jax.ops.segment_max(res_att, dst, num_segments=N))
    seg_max = jnp.where(jnp.isfinite(seg_max), seg_max, 0.0)
    expv = jnp.exp(res_att - seg_max[dst])
    seg_sum = jax.ops.segment_sum(expv, dst, num_segments=N)
    att = expv / (seg_sum[dst] + 1e-16)
    expand = jnp.stack([res_msg ** (k + 1) for k in range(K_MOM)], axis=0)
    res_edge = (expand * att[None, :, :, None]).reshape(K_MOM, Ecur, OUT_DIM)
    agg = jnp.stack([jax.ops.segment_sum(res_edge[k][dst], dst, num_segments=N) for k in range(K_MOM)], axis=0)
    last = jnp.power(jnp.abs(agg[K_MOM - 1]) + 1e-18, 1.0 / K_MOM) * jnp.sign(agg[K_MOM - 1])
    agg = agg.at[K_MOM - 1].set(last)
    agg = jnp.einsum('knd,kdf->knf', agg, WMk)
    qn = node_inp @ Wquery + bquery
    res = jnp.zeros((N, OUT_DIM), dtype=jnp.float32)
    for k in range(K_MOM):
        front = qn @ Wak[k]
        tail = agg[k] @ Wkey + bkey
        score = jax.nn.sigmoid(jnp.sum(front * tail, axis=-1))
        res = res + score[:, None] * agg[k]
    return res

def reference(node_inp, node_type, edge_index, edge_type, edge_time, Wk, bk, Wq, bq, Wv, bv, rel_pri, rel_att, rel_msg, WMk, Wak, Wquery, bquery, Wkey, bkey):
    return _forward(node_inp, Wk, bk, Wq, bq, Wv, bv, rel_pri, rel_att, rel_msg, WMk, Wak, Wquery, bquery, Wkey, bkey, node_type, edge_index, edge_type, edge_time)

if __name__ == "__main__":
    import jax
    _d = setup_inputs()
    print(jax.jit(kernel)(*tuple(_d.values())))

</pallas_src>

<mosaic_0001>
#map = affine_map<(d0, d1) -> (0, 0)>
#map1 = affine_map<(d0, d1) -> (0)>
#map2 = affine_map<(d0, d1) -> (0, 0, 0)>
module attributes {stable_mosaic.version = 14 : i64} {
  func.func @k(%arg0: i32, %arg1: i32, %arg2: memref<10000x128xf32, #tpu.memory_space<hbm>>, %arg3: memref<20000x128xf32, #tpu.memory_space<hbm>>, %arg4: memref<20000x128xf32, #tpu.memory_space<hbm>>, %arg5: memref<320000xi32, #tpu.memory_space<hbm>>, %arg6: memref<320000xi32, #tpu.memory_space<hbm>>, %arg7: memref<320000xi32, #tpu.memory_space<hbm>>, %arg8: memref<320000xi32, #tpu.memory_space<hbm>>, %arg9: memref<10240xi32, #tpu.memory_space<hbm>>, %arg10: memref<1250x128xf32, #tpu.memory_space<hbm>>, %arg11: memref<10000x16xf32, #tpu.memory_space<hbm>>, %arg12: memref<2x1250x128xf32, #tpu.memory_space<hbm>>, %arg13: memref<10240x128xf32, #tpu.memory_space<hbm>>, %arg14: memref<80xi32, #tpu.memory_space<vmem>>, %arg15: memref<80xi32, #tpu.memory_space<vmem>>, %arg16: memref<96xi32, #tpu.memory_space<vmem>>, %arg17: memref<80xi32, #tpu.memory_space<vmem>>, %arg18: memref<80x128xf32, #tpu.memory_space<vmem>>, %arg19: memref<80x128xf32, #tpu.memory_space<vmem>>, %arg20: memref<80x128xf32, #tpu.memory_space<vmem>>, %arg21: memref<80x16xf32, #tpu.memory_space<vmem>>, %arg22: memref<320xi32, #tpu.memory_space<vmem>>, %arg23: memref<320x128xf32, #tpu.memory_space<vmem>>, %arg24: memref<1250x128xf32, #tpu.memory_space<vmem_shared>>, %arg25: memref<!tpu.dma_semaphore, #tpu.memory_space<semaphore_mem>>) attributes {dimension_semantics = [#tpu.dimension_semantics<core_parallel>, #tpu.dimension_semantics<subcore_parallel>], iteration_bounds = array<i64: 2, 16>, scalar_prefetch = 0 : i64, scratch_operands = 12 : i64, tpu.core_type = #tpu.core_type<sc_vector_subcore>, window_params = [{transform_indices = #map}, {transform_indices = #map}, {transform_indices = #map}, {transform_indices = #map1}, {transform_indices = #map1}, {transform_indices = #map1}, {transform_indices = #map1}, {transform_indices = #map1}, {transform_indices = #map}, {transform_indices = #map}, {transform_indices = #map2}, {transform_indices = #map}]} {
    %eq3A = arith.constant 0 : i32
    %eq3A_0 = arith.cmpi eq, %arg1, %eq3A : i32
    %convert_element_type3A = arith.extui %eq3A_0 : i1 to i32
    %cond3A = arith.constant 0 : i32
    %cond3A_1 = arith.cmpi ne, %convert_element_type3A, %cond3A : i32
    scf.if %cond3A_1 {
      "tpu.region"() ({
        %run_scoped3A = tpu.sem_alloc : memref<!tpu.dma_semaphore, #tpu.memory_space<semaphore_mem>>
        tpu.enqueue_dma source(%arg10 : memref<1250x128xf32, #tpu.memory_space<hbm>>) target(%arg24 : memref<1250x128xf32, #tpu.memory_space<vmem_shared>>) target_semaphore(%run_scoped3A : memref<!tpu.dma_semaphore, #tpu.memory_space<semaphore_mem>>)
        tpu.wait_dma2 semaphore(%run_scoped3A : memref<!tpu.dma_semaphore, #tpu.memory_space<semaphore_mem>>) src(%arg10 : memref<1250x128xf32, #tpu.memory_space<hbm>>) dst(%arg24 : memref<1250x128xf32, #tpu.memory_space<vmem_shared>>)
        tpu.yield
      }) : () -> ()
    } else {
    }
    %barrier3A = arith.constant 0 : index
    tpu.barrier barrier_id(%barrier3A)
    %mul3A = arith.constant 2 : i32
    %mul3A_2 = arith.muli %arg1, %mul3A : i32
    %add3A = arith.addi %mul3A_2, %arg0 : i32
    %iota3A = tpu.iota {dimensions = array<i32: 0>} : vector<16xi32>
    %broadcast_in_dim3A = arith.constant 0.000000e+00 : f32
    %broadcast_in_dim3A_3 = vector.broadcast %broadcast_in_dim3A : f32 to vector<16xf32>
    %scan3A = arith.constant 0 : i32
    %scan3A_4 = arith.constant 0 : i32
    %scan3A_5 = arith.constant 125 : i32
    %scan3A_6 = arith.addi %scan3A_4, %scan3A_5 : i32
    %scan3A_7 = arith.constant 1 : i32
    scf.for %scan3A_21 = %scan3A_4 to %scan3A_6 step %scan3A_7  : i32 {
      %mul3A_22 = arith.constant 10000 : i32
      %mul3A_23 = arith.muli %add3A, %mul3A_22 : i32
      %mul3A_24 = arith.constant 80 : i32
      %mul3A_25 = arith.muli %scan3A_21, %mul3A_24 : i32
      %add3A_26 = arith.addi %mul3A_23, %mul3A_25 : i32
      "tpu.region"() ({
        %run_scoped3A = tpu.sem_alloc : memref<!tpu.dma_semaphore, #tpu.memory_space<semaphore_mem>>
        %dma_start3A_49 = tpu.memref_slice %arg5[%add3A_26] : memref<320000xi32, #tpu.memory_space<hbm>> -> memref<80xi32, #tpu.memory_space<hbm>>
        %dma_start3A_50 = tpu.memref_slice %arg5[%add3A_26] : memref<320000xi32, #tpu.memory_space<hbm>> -> memref<80xi32, #tpu.memory_space<hbm>>
        tpu.enqueue_dma source(%dma_start3A_50 : memref<80xi32, #tpu.memory_space<hbm>>) target(%arg14 : memref<80xi32, #tpu.memory_space<vmem>>) target_semaphore(%run_scoped3A : memref<!tpu.dma_semaphore, #tpu.memory_space<semaphore_mem>>)
        %dma_wait3A_51 = tpu.memref_slice %arg5[%add3A_26] : memref<320000xi32, #tpu.memory_space<hbm>> -> memref<80xi32, #tpu.memory_space<hbm>>
        %dma_wait3A_52 = tpu.memref_slice %arg5[%add3A_26] : memref<320000xi32, #tpu.memory_space<hbm>> -> memref<80xi32, #tpu.memory_space<hbm>>
        tpu.wait_dma2 semaphore(%run_scoped3A : memref<!tpu.dma_semaphore, #tpu.memory_space<semaphore_mem>>) src(%dma_wait3A_52 : memref<80xi32, #tpu.memory_space<hbm>>) dst(%arg14 : memref<80xi32, #tpu.memory_space<vmem>>)
        tpu.yield
      }) : () -> ()
      "tpu.region"() ({
        %run_scoped3A = tpu.sem_alloc : memref<!tpu.dma_semaphore, #tpu.memory_space<semaphore_mem>>
        %dma_start3A_49 = tpu.memref_slice %arg6[%add3A_26] : memref<320000xi32, #tpu.memory_space<hbm>> -> memref<80xi32, #tpu.memory_space<hbm>>
        %dma_start3A_50 = tpu.memref_slice %arg6[%add3A_26] : memref<320000xi32, #tpu.memory_space<hbm>> -> memref<80xi32, #tpu.memory_space<hbm>>
        tpu.enqueue_dma source(%dma_start3A_50 : memref<80xi32, #tpu.memory_space<hbm>>) target(%arg15 : memref<80xi32, #tpu.memory_space<vmem>>) target_semaphore(%run_scoped3A : memref<!tpu.dma_semaphore, #tpu.memory_space<semaphore_mem>>)
        %dma_wait3A_51 = tpu.memref_slice %arg6[%add3A_26] : memref<320000xi32, #tpu.memory_space<hbm>> -> memref<80xi32, #tpu.memory_space<hbm>>
        %dma_wait3A_52 = tpu.memref_slice %arg6[%add3A_26] : memref<320000xi32, #tpu.memory_space<hbm>> -> memref<80xi32, #tpu.memory_space<hbm>>
        tpu.wait_dma2 semaphore(%run_scoped3A : memref<!tpu.dma_semaphore, #tpu.memory_space<semaphore_mem>>) src(%dma_wait3A_52 : memref<80xi32, #tpu.memory_space<hbm>>) dst(%arg15 : memref<80xi32, #tpu.memory_space<vmem>>)
        tpu.yield
      }) : () -> ()
      "tpu.region"() ({
        %run_scoped3A = tpu.sem_alloc : memref<!tpu.dma_semaphore, #tpu.memory_space<semaphore_mem>>
        %dma_start3A_49 = arith.constant 0 : i32
        %dma_start3A_50 = tpu.memref_slice %arg16[%dma_start3A_49] : memref<96xi32, #tpu.memory_space<vmem>> -> memref<80xi32, #tpu.memory_space<vmem>>
        %dma_start3A_51 = tpu.memref_slice %arg7[%add3A_26] : memref<320000xi32, #tpu.memory_space<hbm>> -> memref<80xi32, #tpu.memory_space<hbm>>
        %dma_start3A_52 = arith.constant 0 : i32
        %dma_start3A_53 = tpu.memref_slice %arg16[%dma_start3A_52] : memref<96xi32, #tpu.memory_space<vmem>> -> memref<80xi32, #tpu.memory_space<vmem>>
        %dma_start3A_54 = tpu.memref_slice %arg7[%add3A_26] : memref<320000xi32, #tpu.memory_space<hbm>> -> memref<80xi32, #tpu.memory_space<hbm>>
        tpu.enqueue_dma source(%dma_start3A_54 : memref<80xi32, #tpu.memory_space<hbm>>) target(%dma_start3A_53 : memref<80xi32, #tpu.memory_space<vmem>>) target_semaphore(%run_scoped3A : memref<!tpu.dma_semaphore, #tpu.memory_space<semaphore_mem>>)
        %dma_wait3A_55 = arith.constant 0 : i32
        %dma_wait3A_56 = tpu.memref_slice %arg16[%dma_wait3A_55] : memref<96xi32, #tpu.memory_space<vmem>> -> memref<80xi32, #tpu.memory_space<vmem>>
        %dma_wait3A_57 = tpu.memref_slice %arg7[%add3A_26] : memref<320000xi32, #tpu.memory_space<hbm>> -> memref<80xi32, #tpu.memory_space<hbm>>
        %dma_wait3A_58 = arith.constant 0 : i32
        %dma_wait3A_59 = tpu.memref_slice %arg16[%dma_wait3A_58] : memref<96xi32, #tpu.memory_space<vmem>> -> memref<80xi32, #tpu.memory_space<vmem>>
        %dma_wait3A_60 = tpu.memref_slice %arg7[%add3A_26] : memref<320000xi32, #tpu.memory_space<hbm>> -> memref<80xi32, #tpu.memory_space<hbm>>
        tpu.wait_dma2 semaphore(%run_scoped3A : memref<!tpu.dma_semaphore, #tpu.memory_space<semaphore_mem>>) src(%dma_wait3A_60 : memref<80xi32, #tpu.memory_space<hbm>>) dst(%dma_wait3A_59 : memref<80xi32, #tpu.memory_space<vmem>>)
        tpu.yield
      }) : () -> ()
      "tpu.region"() ({
        %run_scoped3A = tpu.sem_alloc : memref<!tpu.dma_semaphore, #tpu.memory_space<semaphore_mem>>
        %dma_start3A_49 = tpu.memref_slice %arg8[%add3A_26] : memref<320000xi32, #tpu.memory_space<hbm>> -> memref<80xi32, #tpu.memory_space<hbm>>
        %dma_start3A_50 = tpu.memref_slice %arg8[%add3A_26] : memref<320000xi32, #tpu.memory_space<hbm>> -> memref<80xi32, #tpu.memory_space<hbm>>
        tpu.enqueue_dma source(%dma_start3A_50 : memref<80xi32, #tpu.memory_space<hbm>>) target(%arg17 : memref<80xi32, #tpu.memory_space<vmem>>) target_semaphore(%run_scoped3A : memref<!tpu.dma_semaphore, #tpu.memory_space<semaphore_mem>>)
        %dma_wait3A_51 = tpu.memref_slice %arg8[%add3A_26] : memref<320000xi32, #tpu.memory_space<hbm>> -> memref<80xi32, #tpu.memory_space<hbm>>
        %dma_wait3A_52 = tpu.memref_slice %arg8[%add3A_26] : memref<320000xi32, #tpu.memory_space<hbm>> -> memref<80xi32, #tpu.memory_space<hbm>>
        tpu.wait_dma2 semaphore(%run_scoped3A : memref<!tpu.dma_semaphore, #tpu.memory_space<semaphore_mem>>) src(%dma_wait3A_52 : memref<80xi32, #tpu.memory_space<hbm>>) dst(%arg17 : memref<80xi32, #tpu.memory_space<vmem>>)
        tpu.yield
      }) : () -> ()
      %dma_start3A_27 = arith.constant 0 : i32
      %dma_start3A_28 = arith.constant 0 : i32
      %dma_start3A_29 = tpu.memref_slice %arg2[%dma_start3A_27, %dma_start3A_28] : memref<10000x128xf32, #tpu.memory_space<hbm>> -> memref<10000x128xf32, #tpu.memory_space<hbm>>
      tpu.enqueue_indirect_dma source(%dma_start3A_29 : memref<10000x128xf32, #tpu.memory_space<hbm>>) target(%arg18 : memref<80x128xf32, #tpu.memory_space<vmem>>) offsets(%arg14 : memref<80xi32, #tpu.memory_space<vmem>>) semaphore(%arg25 : memref<!tpu.dma_semaphore, #tpu.memory_space<semaphore_mem>>)
      %dma_start3A_30 = arith.constant 0 : i32
      %dma_start3A_31 = arith.constant 0 : i32
      %dma_start3A_32 = tpu.memref_slice %arg3[%dma_start3A_30, %dma_start3A_31] : memref<20000x128xf32, #tpu.memory_space<hbm>> -> memref<20000x128xf32, #tpu.memory_space<hbm>>
      tpu.enqueue_indirect_dma source(%dma_start3A_32 : memref<20000x128xf32, #tpu.memory_space<hbm>>) target(%arg19 : memref<80x128xf32, #tpu.memory_space<vmem>>) offsets(%arg17 : memref<80xi32, #tpu.memory_space<vmem>>) semaphore(%arg25 : memref<!tpu.dma_semaphore, #tpu.memory_space<semaphore_mem>>)
      %dma_wait3A_33 = arith.constant 0 : i32
      %dma_wait3A_34 = arith.constant 0 : i32
      %dma_wait3A_35 = tpu.memref_slice %arg2[%dma_wait3A_33, %dma_wait3A_34] : memref<10000x128xf32, #tpu.memory_space<hbm>> -> memref<10000x128xf32, #tpu.memory_space<hbm>>
      tpu.wait_indirect_dma semaphore(%arg25 : memref<!tpu.dma_semaphore, #tpu.memory_space<semaphore_mem>>) src(%dma_wait3A_35 : memref<10000x128xf32, #tpu.memory_space<hbm>>) dst(%arg18 : memref<80x128xf32, #tpu.memory_space<vmem>>)
      %dma_wait3A_36 = arith.constant 0 : i32
      %dma_wait3A_37 = arith.constant 0 : i32
      %dma_wait3A_38 = tpu.memref_slice %arg3[%dma_wait3A_36, %dma_wait3A_37] : memref<20000x128xf32, #tpu.memory_space<hbm>> -> memref<20000x128xf32, #tpu.memory_space<hbm>>
      tpu.wait_indirect_dma semaphore(%arg25 : memref<!tpu.dma_semaphore, #tpu.memory_space<semaphore_mem>>) src(%dma_wait3A_38 : memref<20000x128xf32, #tpu.memory_space<hbm>>) dst(%arg19 : memref<80x128xf32, #tpu.memory_space<vmem>>)
      %scan3A_39 = arith.constant 0 : i32
      %scan3A_40 = arith.constant 0 : i32
      %scan3A_41 = arith.constant 80 : i32
      %scan3A_42 = arith.addi %scan3A_40, %scan3A_41 : i32
      %scan3A_43 = arith.constant 1 : i32
      scf.for %scan3A_49 = %scan3A_40 to %scan3A_42 step %scan3A_43  : i32 {
        %broadcast_in_dim3A_50 = arith.constant 0.000000e+00 : f32
        %broadcast_in_dim3A_51 = vector.broadcast %broadcast_in_dim3A_50 : f32 to vector<16xf32>
        %get3A = arith.index_cast %scan3A_49 : i32 to index
        %get3A_52 = arith.constant 0 : index
        %get3A_53 = tpu.vector_load %arg18[%get3A, %get3A_52] {strides = array<i32>} : memref<80x128xf32, #tpu.memory_space<vmem>>, vector<1x16xf32>,
        %get3A_54 = vector.shape_cast %get3A_53 : vector<1x16xf32> to vector<16xf32>
        %get3A_55 = arith.index_cast %scan3A_49 : i32 to index
        %get3A_56 = arith.constant 0 : index
        %get3A_57 = tpu.vector_load %arg19[%get3A_55, %get3A_56] {strides = array<i32>} : memref<80x128xf32, #tpu.memory_space<vmem>>, vector<1x16xf32>,
        %get3A_58 = vector.shape_cast %get3A_57 : vector<1x16xf32> to vector<16xf32>
        %mul3A_59 = arith.mulf %get3A_54, %get3A_58 : vector<16xf32>
        %xor3A = arith.constant 8 : i32
        %xor3A_60 = vector.broadcast %xor3A : i32 to vector<16xi32>
        %xor3A_61 = arith.xori %iota3A, %xor3A_60 : vector<16xi32>
        %broadcast_in_dim3A_62 = vector.shape_cast %xor3A_61 : vector<16xi32> to vector<16x1xi32>
        %gather3A = vector.shape_cast %broadcast_in_dim3A_62 : vector<16x1xi32> to vector<16xi32>
        %gather3A_63 = tpu.dynamic_gather %mul3A_59[%gather3A] in [0] : vector<16xf32>, vector<16xi32> -> vector<16xf32>
        %add3A_64 = arith.addf %mul3A_59, %gather3A_63 : vector<16xf32>
        %xor3A_65 = arith.constant 4 : i32
        %xor3A_66 = vector.broadcast %xor3A_65 : i32 to vector<16xi32>
        %xor3A_67 = arith.xori %iota3A, %xor3A_66 : vector<16xi32>
        %broadcast_in_dim3A_68 = vector.shape_cast %xor3A_67 : vector<16xi32> to vector<16x1xi32>
        %gather3A_69 = vector.shape_cast %broadcast_in_dim3A_68 : vector<16x1xi32> to vector<16xi32>
        %gather3A_70 = tpu.dynamic_gather %add3A_64[%gather3A_69] in [0] : vector<16xf32>, vector<16xi32> -> vector<16xf32>
        %add3A_71 = arith.addf %add3A_64, %gather3A_70 : vector<16xf32>
        %xor3A_72 = arith.constant 2 : i32
        %xor3A_73 = vector.broadcast %xor3A_72 : i32 to vector<16xi32>
        %xor3A_74 = arith.xori %iota3A, %xor3A_73 : vector<16xi32>
        %broadcast_in_dim3A_75 = vector.shape_cast %xor3A_74 : vector<16xi32> to vector<16x1xi32>
        %gather3A_76 = vector.shape_cast %broadcast_in_dim3A_75 : vector<16x1xi32> to vector<16xi32>
        %gather3A_77 = tpu.dynamic_gather %add3A_71[%gather3A_76] in [0] : vector<16xf32>, vector<16xi32> -> vector<16xf32>
        %add3A_78 = arith.addf %add3A_71, %gather3A_77 : vector<16xf32>
        %xor3A_79 = arith.constant 1 : i32
        %xor3A_80 = vector.broadcast %xor3A_79 : i32 to vector<16xi32>
        %xor3A_81 = arith.xori %iota3A, %xor3A_80 : vector<16xi32>
        %broadcast_in_dim3A_82 = vector.shape_cast %xor3A_81 : vector<16xi32> to vector<16x1xi32>
        %gather3A_83 = vector.shape_cast %broadcast_in_dim3A_82 : vector<16x1xi32> to vector<16xi32>
        %gather3A_84 = tpu.dynamic_gather %add3A_78[%gather3A_83] in [0] : vector<16xf32>, vector<16xi32> -> vector<16xf32>
        %add3A_85 = arith.addf %add3A_78, %gather3A_84 : vector<16xf32>
        %eq3A_86 = arith.constant 0 : i32
        %eq3A_87 = vector.broadcast %eq3A_86 : i32 to vector<16xi32>
        %eq3A_88 = arith.cmpi eq, %iota3A, %eq3A_87 : vector<16xi32>
        %select_n3A = arith.select %eq3A_88, %add3A_85, %broadcast_in_dim3A_51 : vector<16xi1>, vector<16xf32>
        %get3A_89 = arith.index_cast %scan3A_49 : i32 to index
        %get3A_90 = arith.constant 16 : index
        %get3A_91 = tpu.vector_load %arg18[%get3A_89, %get3A_90] {strides = array<i32>} : memref<80x128xf32, #tpu.memory_space<vmem>>, vector<1x16xf32>,
        %get3A_92 = vector.shape_cast %get3A_91 : vector<1x16xf32> to vector<16xf32>
        %get3A_93 = arith.index_cast %scan3A_49 : i32 to index
        %get3A_94 = arith.constant 16 : index
        %get3A_95 = tpu.vector_load %arg19[%get3A_93, %get3A_94] {strides = array<i32>} : memref<80x128xf32, #tpu.memory_space<vmem>>, vector<1x16xf32>,
        %get3A_96 = vector.shape_cast %get3A_95 : vector<1x16xf32> to vector<16xf32>
        %mul3A_97 = arith.mulf %get3A_92, %get3A_96 : vector<16xf32>
        %xor3A_98 = arith.constant 8 : i32
        %xor3A_99 = vector.broadcast %xor3A_98 : i32 to vector<16xi32>
        %xor3A_100 = arith.xori %iota3A, %xor3A_99 : vector<16xi32>
        %broadcast_in_dim3A_101 = vector.shape_cast %xor3A_100 : vector<16xi32> to vector<16x1xi32>
        %gather3A_102 = vector.shape_cast %broadcast_in_dim3A_101 : vector<16x1xi32> to vector<16xi32>
        %gather3A_103 = tpu.dynamic_gather %mul3A_97[%gather3A_102] in [0] : vector<16xf32>, vector<16xi32> -> vector<16xf32>
        %add3A_104 = arith.addf %mul3A_97, %gather3A_103 : vector<16xf32>
        %xor3A_105 = arith.constant 4 : i32
        %xor3A_106 = vector.broadcast %xor3A_105 : i32 to vector<16xi32>
        %xor3A_107 = arith.xori %iota3A, %xor3A_106 : vector<16xi32>
        %broadcast_in_dim3A_108 = vector.shape_cast %xor3A_107 : vector<16xi32> to vector<16x1xi32>
        %gather3A_109 = vector.shape_cast %broadcast_in_dim3A_108 : vector<16x1xi32> to vector<16xi32>
        %gather3A_110 = tpu.dynamic_gather %add3A_104[%gather3A_109] in [0] : vector<16xf32>, vector<16xi32> -> vector<16xf32>
        %add3A_111 = arith.addf %add3A_104, %gather3A_110 : vector<16xf32>
        %xor3A_112 = arith.constant 2 : i32
        %xor3A_113 = vector.broadcast %xor3A_112 : i32 to vector<16xi32>
        %xor3A_114 = arith.xori %iota3A, %xor3A_113 : vector<16xi32>
        %broadcast_in_dim3A_115 = vector.shape_cast %xor3A_114 : vector<16xi32> to vector<16x1xi32>
        %gather3A_116 = vector.shape_cast %broadcast_in_dim3A_115 : vector<16x1xi32> to vector<16xi32>
        %gather3A_117 = tpu.dynamic_gather %add3A_111[%gather3A_116] in [0] : vector<16xf32>, vector<16xi32> -> vector<16xf32>
        %add3A_118 = arith.addf %add3A_111, %gather3A_117 : vector<16xf32>
        %xor3A_119 = arith.constant 1 : i32
        %xor3A_120 = vector.broadcast %xor3A_119 : i32 to vector<16xi32>
        %xor3A_121 = arith.xori %iota3A, %xor3A_120 : vector<16xi32>
        %broadcast_in_dim3A_122 = vector.shape_cast %xor3A_121 : vector<16xi32> to vector<16x1xi32>
        %gather3A_123 = vector.shape_cast %broadcast_in_dim3A_122 : vector<16x1xi32> to vector<16xi32>
        %gather3A_124 = tpu.dynamic_gather %add3A_118[%gather3A_123] in [0] : vector<16xf32>, vector<16xi32> -> vector<16xf32>
        %add3A_125 = arith.addf %add3A_118, %gather3A_124 : vector<16xf32>
        %eq3A_126 = arith.constant 1 : i32
        %eq3A_127 = vector.broadcast %eq3A_126 : i32 to vector<16xi32>
        %eq3A_128 = arith.cmpi eq, %iota3A, %eq3A_127 : vector<16xi32>
        %select_n3A_129 = arith.select %eq3A_128, %add3A_125, %select_n3A : vector<16xi1>, vector<16xf32>
        %get3A_130 = arith.index_cast %scan3A_49 : i32 to index
        %get3A_131 = arith.constant 32 : index
        %get3A_132 = tpu.vector_load %arg18[%get3A_130, %get3A_131] {strides = array<i32>} : memref<80x128xf32, #tpu.memory_space<vmem>>, vector<1x16xf32>,
        %get3A_133 = vector.shape_cast %get3A_132 : vector<1x16xf32> to vector<16xf32>
        %get3A_134 = arith.index_cast %scan3A_49 : i32 to index
        %get3A_135 = arith.constant 32 : index
        %get3A_136 = tpu.vector_load %arg19[%get3A_134, %get3A_135] {strides = array<i32>} : memref<80x128xf32, #tpu.memory_space<vmem>>, vector<1x16xf32>,
        %get3A_137 = vector.shape_cast %get3A_136 : vector<1x16xf32> to vector<16xf32>
        %mul3A_138 = arith.mulf %get3A_133, %get3A_137 : vector<16xf32>
        %xor3A_139 = arith.constant 8 : i32
        %xor3A_140 = vector.broadcast %xor3A_139 : i32 to vector<16xi32>
        %xor3A_141 = arith.xori %iota3A, %xor3A_140 : vector<16xi32>
        %broadcast_in_dim3A_142 = vector.shape_cast %xor3A_141 : vector<16xi32> to vector<16x1xi32>
        %gather3A_143 = vector.shape_cast %broadcast_in_dim3A_142 : vector<16x1xi32> to vector<16xi32>
        %gather3A_144 = tpu.dynamic_gather %mul3A_138[%gather3A_143] in [0] : vector<16xf32>, vector<16xi32> -> vector<16xf32>
        %add3A_145 = arith.addf %mul3A_138, %gather3A_144 : vector<16xf32>
        %xor3A_146 = arith.constant 4 : i32
        %xor3A_147 = vector.broadcast %xor3A_146 : i32 to vector<16xi32>
        %xor3A_148 = arith.xori %iota3A, %xor3A_147 : vector<16xi32>
        %broadcast_in_dim3A_149 = vector.shape_cast %xor3A_148 : vector<16xi32> to vector<16x1xi32>
        %gather3A_150 = vector.shape_cast %broadcast_in_dim3A_149 : vector<16x1xi32> to vector<16xi32>
        %gather3A_151 = tpu.dynamic_gather %add3A_145[%gather3A_150] in [0] : vector<16xf32>, vector<16xi32> -> vector<16xf32>
        %add3A_152 = arith.addf %add3A_145, %gather3A_151 : vector<16xf32>
        %xor3A_153 = arith.constant 2 : i32
        %xor3A_154 = vector.broadcast %xor3A_153 : i32 to vector<16xi32>
        %xor3A_155 = arith.xori %iota3A, %xor3A_154 : vector<16xi32>
        %broadcast_in_dim3A_156 = vector.shape_cast %xor3A_155 : vector<16xi32> to vector<16x1xi32>
        %gather3A_157 = vector.shape_cast %broadcast_in_dim3A_156 : vector<16x1xi32> to vector<16xi32>
        %gather3A_158 = tpu.dynamic_gather %add3A_152[%gather3A_157] in [0] : vector<16xf32>, vector<16xi32> -> vector<16xf32>
        %add3A_159 = arith.addf %add3A_152, %gather3A_158 : vector<16xf32>
        %xor3A_160 = arith.constant 1 : i32
        %xor3A_161 = vector.broadcast %xor3A_160 : i32 to vector<16xi32>
        %xor3A_162 = arith.xori %iota3A, %xor3A_161 : vector<16xi32>
        %broadcast_in_dim3A_163 = vector.shape_cast %xor3A_162 : vector<16xi32> to vector<16x1xi32>
        %gather3A_164 = vector.shape_cast %broadcast_in_dim3A_163 : vector<16x1xi32> to vector<16xi32>
        %gather3A_165 = tpu.dynamic_gather %add3A_159[%gather3A_164] in [0] : vector<16xf32>, vector<16xi32> -> vector<16xf32>
        %add3A_166 = arith.addf %add3A_159, %gather3A_165 : vector<16xf32>
        %eq3A_167 = arith.constant 2 : i32
        %eq3A_168 = vector.broadcast %eq3A_167 : i32 to vector<16xi32>
        %eq3A_169 = arith.cmpi eq, %iota3A, %eq3A_168 : vector<16xi32>
        %select_n3A_170 = arith.select %eq3A_169, %add3A_166, %select_n3A_129 : vector<16xi1>, vector<16xf32>
        %get3A_171 = arith.index_cast %scan3A_49 : i32 to index
        %get3A_172 = arith.constant 48 : index
        %get3A_173 = tpu.vector_load %arg18[%get3A_171, %get3A_172] {strides = array<i32>} : memref<80x128xf32, #tpu.memory_space<vmem>>, vector<1x16xf32>,
        %get3A_174 = vector.shape_cast %get3A_173 : vector<1x16xf32> to vector<16xf32>
        %get3A_175 = arith.index_cast %scan3A_49 : i32 to index
        %get3A_176 = arith.constant 48 : index
        %get3A_177 = tpu.vector_load %arg19[%get3A_175, %get3A_176] {strides = array<i32>} : memref<80x128xf32, #tpu.memory_space<vmem>>, vector<1x16xf32>,
        %get3A_178 = vector.shape_cast %get3A_177 : vector<1x16xf32> to vector<16xf32>
        %mul3A_179 = arith.mulf %get3A_174, %get3A_178 : vector<16xf32>
        %xor3A_180 = arith.constant 8 : i32
        %xor3A_181 = vector.broadcast %xor3A_180 : i32 to vector<16xi32>
        %xor3A_182 = arith.xori %iota3A, %xor3A_181 : vector<16xi32>
        %broadcast_in_dim3A_183 = vector.shape_cast %xor3A_182 : vector<16xi32> to vector<16x1xi32>
        %gather3A_184 = vector.shape_cast %broadcast_in_dim3A_183 : vector<16x1xi32> to vector<16xi32>
        %gather3A_185 = tpu.dynamic_gather %mul3A_179[%gather3A_184] in [0] : vector<16xf32>, vector<16xi32> -> vector<16xf32>
        %add3A_186 = arith.addf %mul3A_179, %gather3A_185 : vector<16xf32>
        %xor3A_187 = arith.constant 4 : i32
        %xor3A_188 = vector.broadcast %xor3A_187 : i32 to vector<16xi32>
        %xor3A_189 = arith.xori %iota3A, %xor3A_188 : vector<16xi32>
        %broadcast_in_dim3A_190 = vector.shape_cast %xor3A_189 : vector<16xi32> to vector<16x1xi32>
        %gather3A_191 = vector.shape_cast %broadcast_in_dim3A_190 : vector<16x1xi32> to vector<16xi32>
        %gather3A_192 = tpu.dynamic_gather %add3A_186[%gather3A_191] in [0] : vector<16xf32>, vector<16xi32> -> vector<16xf32>
        %add3A_193 = arith.addf %add3A_186, %gather3A_192 : vector<16xf32>
        %xor3A_194 = arith.constant 2 : i32
        %xor3A_195 = vector.broadcast %xor3A_194 : i32 to vector<16xi32>
        %xor3A_196 = arith.xori %iota3A, %xor3A_195 : vector<16xi32>
        %broadcast_in_dim3A_197 = vector.shape_cast %xor3A_196 : vector<16xi32> to vector<16x1xi32>
        %gather3A_198 = vector.shape_cast %broadcast_in_dim3A_197 : vector<16x1xi32> to vector<16xi32>
        %gather3A_199 = tpu.dynamic_gather %add3A_193[%gather3A_198] in [0] : vector<16xf32>, vector<16xi32> -> vector<16xf32>
        %add3A_200 = arith.addf %add3A_193, %gather3A_199 : vector<16xf32>
        %xor3A_201 = arith.constant 1 : i32
        %xor3A_202 = vector.broadcast %xor3A_201 : i32 to vector<16xi32>
        %xor3A_203 = arith.xori %iota3A, %xor3A_202 : vector<16xi32>
        %broadcast_in_dim3A_204 = vector.shape_cast %xor3A_203 : vector<16xi32> to vector<16x1xi32>
        %gather3A_205 = vector.shape_cast %broadcast_in_dim3A_204 : vector<16x1xi32> to vector<16xi32>
        %gather3A_206 = tpu.dynamic_gather %add3A_200[%gather3A_205] in [0] : vector<16xf32>, vector<16xi32> -> vector<16xf32>
        %add3A_207 = arith.addf %add3A_200, %gather3A_206 : vector<16xf32>
        %eq3A_208 = arith.constant 3 : i32
        %eq3A_209 = vector.broadcast %eq3A_208 : i32 to vector<16xi32>
        %eq3A_210 = arith.cmpi eq, %iota3A, %eq3A_209 : vector<16xi32>
        %select_n3A_211 = arith.select %eq3A_210, %add3A_207, %select_n3A_170 : vector<16xi1>, vector<16xf32>
        %get3A_212 = arith.index_cast %scan3A_49 : i32 to index
        %get3A_213 = arith.constant 64 : index
        %get3A_214 = tpu.vector_load %arg18[%get3A_212, %get3A_213] {strides = array<i32>} : memref<80x128xf32, #tpu.memory_space<vmem>>, vector<1x16xf32>,
        %get3A_215 = vector.shape_cast %get3A_214 : vector<1x16xf32> to vector<16xf32>
        %get3A_216 = arith.index_cast %scan3A_49 : i32 to index
        %get3A_217 = arith.constant 64 : index
        %get3A_218 = tpu.vector_load %arg19[%get3A_216, %get3A_217] {strides = array<i32>} : memref<80x128xf32, #tpu.memory_space<vmem>>, vector<1x16xf32>,
        %get3A_219 = vector.shape_cast %get3A_218 : vector<1x16xf32> to vector<16xf32>
        %mul3A_220 = arith.mulf %get3A_215, %get3A_219 : vector<16xf32>
        %xor3A_221 = arith.constant 8 : i32
        %xor3A_222 = vector.broadcast %xor3A_221 : i32 to vector<16xi32>
        %xor3A_223 = arith.xori %iota3A, %xor3A_222 : vector<16xi32>
        %broadcast_in_dim3A_224 = vector.shape_cast %xor3A_223 : vector<16xi32> to vector<16x1xi32>
        %gather3A_225 = vector.shape_cast %broadcast_in_dim3A_224 : vector<16x1xi32> to vector<16xi32>
        %gather3A_226 = tpu.dynamic_gather %mul3A_220[%gather3A_225] in [0] : vector<16xf32>, vector<16xi32> -> vector<16xf32>
        %add3A_227 = arith.addf %mul3A_220, %gather3A_226 : vector<16xf32>
        %xor3A_228 = arith.constant 4 : i32
        %xor3A_229 = vector.broadcast %xor3A_228 : i32 to vector<16xi32>
        %xor3A_230 = arith.xori %iota3A, %xor3A_229 : vector<16xi32>
        %broadcast_in_dim3A_231 = vector.shape_cast %xor3A_230 : vector<16xi32> to vector<16x1xi32>
        %gather3A_232 = vector.shape_cast %broadcast_in_dim3A_231 : vector<16x1xi32> to vector<16xi32>
        %gather3A_233 = tpu.dynamic_gather %add3A_227[%gather3A_232] in [0] : vector<16xf32>, vector<16xi32> -> vector<16xf32>
        %add3A_234 = arith.addf %add3A_227, %gather3A_233 : vector<16xf32>
        %xor3A_235 = arith.constant 2 : i32
        %xor3A_236 = vector.broadcast %xor3A_235 : i32 to vector<16xi32>
        %xor3A_237 = arith.xori %iota3A, %xor3A_236 : vector<16xi32>
        %broadcast_in_dim3A_238 = vector.shape_cast %xor3A_237 : vector<16xi32> to vector<16x1xi32>
        %gather3A_239 = vector.shape_cast %broadcast_in_dim3A_238 : vector<16x1xi32> to vector<16xi32>
        %gather3A_240 = tpu.dynamic_gather %add3A_234[%gather3A_239] in [0] : vector<16xf32>, vector<16xi32> -> vector<16xf32>
        %add3A_241 = arith.addf %add3A_234, %gather3A_240 : vector<16xf32>
        %xor3A_242 = arith.constant 1 : i32
        %xor3A_243 = vector.broadcast %xor3A_242 : i32 to vector<16xi32>
        %xor3A_244 = arith.xori %iota3A, %xor3A_243 : vector<16xi32>
        %broadcast_in_dim3A_245 = vector.shape_cast %xor3A_244 : vector<16xi32> to vector<16x1xi32>
        %gather3A_246 = vector.shape_cast %broadcast_in_dim3A_245 : vector<16x1xi32> to vector<16xi32>
        %gather3A_247 = tpu.dynamic_gather %add3A_241[%gather3A_246] in [0] : vector<16xf32>, vector<16xi32> -> vector<16xf32>
        %add3A_248 = arith.addf %add3A_241, %gather3A_247 : vector<16xf32>
        %eq3A_249 = arith.constant 4 : i32
        %eq3A_250 = vector.broadcast %eq3A_249 : i32 to vector<16xi32>
        %eq3A_251 = arith.cmpi eq, %iota3A, %eq3A_250 : vector<16xi32>
        %select_n3A_252 = arith.select %eq3A_251, %add3A_248, %select_n3A_211 : vector<16xi1>, vector<16xf32>
        %get3A_253 = arith.index_cast %scan3A_49 : i32 to index
        %get3A_254 = arith.constant 80 : index
        %get3A_255 = tpu.vector_load %arg18[%get3A_253, %get3A_254] {strides = array<i32>} : memref<80x128xf32, #tpu.memory_space<vmem>>, vector<1x16xf32>,
        %get3A_256 = vector.shape_cast %get3A_255 : vector<1x16xf32> to vector<16xf32>
        %get3A_257 = arith.index_cast %scan3A_49 : i32 to index
        %get3A_258 = arith.constant 80 : index
        %get3A_259 = tpu.vector_load %arg19[%get3A_257, %get3A_258] {strides = array<i32>} : memref<80x128xf32, #tpu.memory_space<vmem>>, vector<1x16xf32>,
        %get3A_260 = vector.shape_cast %get3A_259 : vector<1x16xf32> to vector<16xf32>
        %mul3A_261 = arith.mulf %get3A_256, %get3A_260 : vector<16xf32>
        %xor3A_262 = arith.constant 8 : i32
        %xor3A_263 = vector.broadcast %xor3A_262 : i32 to vector<16xi32>
        %xor3A_264 = arith.xori %iota3A, %xor3A_263 : vector<16xi32>
        %broadcast_in_dim3A_265 = vector.shape_cast %xor3A_264 : vector<16xi32> to vector<16x1xi32>
        %gather3A_266 = vector.shape_cast %broadcast_in_dim3A_265 : vector<16x1xi32> to vector<16xi32>
        %gather3A_267 = tpu.dynamic_gather %mul3A_261[%gather3A_266] in [0] : vector<16xf32>, vector<16xi32> -> vector<16xf32>
        %add3A_268 = arith.addf %mul3A_261, %gather3A_267 : vector<16xf32>
        %xor3A_269 = arith.constant 4 : i32
        %xor3A_270 = vector.broadcast %xor3A_269 : i32 to vector<16xi32>
        %xor3A_271 = arith.xori %iota3A, %xor3A_270 : vector<16xi32>
        %broadcast_in_dim3A_272 = vector.shape_cast %xor3A_271 : vector<16xi32> to vector<16x1xi32>
        %gather3A_273 = vector.shape_cast %broadcast_in_dim3A_272 : vector<16x1xi32> to vector<16xi32>
        %gather3A_274 = tpu.dynamic_gather %add3A_268[%gather3A_273] in [0] : vector<16xf32>, vector<16xi32> -> vector<16xf32>
        %add3A_275 = arith.addf %add3A_268, %gather3A_274 : vector<16xf32>
        %xor3A_276 = arith.constant 2 : i32
        %xor3A_277 = vector.broadcast %xor3A_276 : i32 to vector<16xi32>
        %xor3A_278 = arith.xori %iota3A, %xor3A_277 : vector<16xi32>
        %broadcast_in_dim3A_279 = vector.shape_cast %xor3A_278 : vector<16xi32> to vector<16x1xi32>
        %gather3A_280 = vector.shape_cast %broadcast_in_dim3A_279 : vector<16x1xi32> to vector<16xi32>
        %gather3A_281 = tpu.dynamic_gather %add3A_275[%gather3A_280] in [0] : vector<16xf32>, vector<16xi32> -> vector<16xf32>
        %add3A_282 = arith.addf %add3A_275, %gather3A_281 : vector<16xf32>
        %xor3A_283 = arith.constant 1 : i32
        %xor3A_284 = vector.broadcast %xor3A_283 : i32 to vector<16xi32>
        %xor3A_285 = arith.xori %iota3A, %xor3A_284 : vector<16xi32>
        %broadcast_in_dim3A_286 = vector.shape_cast %xor3A_285 : vector<16xi32> to vector<16x1xi32>
        %gather3A_287 = vector.shape_cast %broadcast_in_dim3A_286 : vector<16x1xi32> to vector<16xi32>
        %gather3A_288 = tpu.dynamic_gather %add3A_282[%gather3A_287] in [0] : vector<16xf32>, vector<16xi32> -> vector<16xf32>
        %add3A_289 = arith.addf %add3A_282, %gather3A_288 : vector<16xf32>
        %eq3A_290 = arith.constant 5 : i32
        %eq3A_291 = vector.broadcast %eq3A_290 : i32 to vector<16xi32>
        %eq3A_292 = arith.cmpi eq, %iota3A, %eq3A_291 : vector<16xi32>
        %select_n3A_293 = arith.select %eq3A_292, %add3A_289, %select_n3A_252 : vector<16xi1>, vector<16xf32>
        %get3A_294 = arith.index_cast %scan3A_49 : i32 to index
        %get3A_295 = arith.constant 96 : index
        %get3A_296 = tpu.vector_load %arg18[%get3A_294, %get3A_295] {strides = array<i32>} : memref<80x128xf32, #tpu.memory_space<vmem>>, vector<1x16xf32>,
        %get3A_297 = vector.shape_cast %get3A_296 : vector<1x16xf32> to vector<16xf32>
        %get3A_298 = arith.index_cast %scan3A_49 : i32 to index
        %get3A_299 = arith.constant 96 : index
        %get3A_300 = tpu.vector_load %arg19[%get3A_298, %get3A_299] {strides = array<i32>} : memref<80x128xf32, #tpu.memory_space<vmem>>, vector<1x16xf32>,
        %get3A_301 = vector.shape_cast %get3A_300 : vector<1x16xf32> to vector<16xf32>
        %mul3A_302 = arith.mulf %get3A_297, %get3A_301 : vector<16xf32>
        %xor3A_303 = arith.constant 8 : i32
        %xor3A_304 = vector.broadcast %xor3A_303 : i32 to vector<16xi32>
        %xor3A_305 = arith.xori %iota3A, %xor3A_304 : vector<16xi32>
        %broadcast_in_dim3A_306 = vector.shape_cast %xor3A_305 : vector<16xi32> to vector<16x1xi32>
        %gather3A_307 = vector.shape_cast %broadcast_in_dim3A_306 : vector<16x1xi32> to vector<16xi32>
        %gather3A_308 = tpu.dynamic_gather %mul3A_302[%gather3A_307] in [0] : vector<16xf32>, vector<16xi32> -> vector<16xf32>
        %add3A_309 = arith.addf %mul3A_302, %gather3A_308 : vector<16xf32>
        %xor3A_310 = arith.constant 4 : i32
        %xor3A_311 = vector.broadcast %xor3A_310 : i32 to vector<16xi32>
        %xor3A_312 = arith.xori %iota3A, %xor3A_311 : vector<16xi32>
        %broadcast_in_dim3A_313 = vector.shape_cast %xor3A_312 : vector<16xi32> to vector<16x1xi32>
        %gather3A_314 = vector.shape_cast %broadcast_in_dim3A_313 : vector<16x1xi32> to vector<16xi32>
        %gather3A_315 = tpu.dynamic_gather %add3A_309[%gather3A_314] in [0] : vector<16xf32>, vector<16xi32> -> vector<16xf32>
        %add3A_316 = arith.addf %add3A_309, %gather3A_315 : vector<16xf32>
        %xor3A_317 = arith.constant 2 : i32
        %xor3A_318 = vector.broadcast %xor3A_317 : i32 to vector<16xi32>
        %xor3A_319 = arith.xori %iota3A, %xor3A_318 : vector<16xi32>
        %broadcast_in_dim3A_320 = vector.shape_cast %xor3A_319 : vector<16xi32> to vector<16x1xi32>
        %gather3A_321 = vector.shape_cast %broadcast_in_dim3A_320 : vector<16x1xi32> to vector<16xi32>
        %gather3A_322 = tpu.dynamic_gather %add3A_316[%gather3A_321] in [0] : vector<16xf32>, vector<16xi32> -> vector<16xf32>
        %add3A_323 = arith.addf %add3A_316, %gather3A_322 : vector<16xf32>
        %xor3A_324 = arith.constant 1 : i32
        %xor3A_325 = vector.broadcast %xor3A_324 : i32 to vector<16xi32>
        %xor3A_326 = arith.xori %iota3A, %xor3A_325 : vector<16xi32>
        %broadcast_in_dim3A_327 = vector.shape_cast %xor3A_326 : vector<16xi32> to vector<16x1xi32>
        %gather3A_328 = vector.shape_cast %broadcast_in_dim3A_327 : vector<16x1xi32> to vector<16xi32>
        %gather3A_329 = tpu.dynamic_gather %add3A_323[%gather3A_328] in [0] : vector<16xf32>, vector<16xi32> -> vector<16xf32>
        %add3A_330 = arith.addf %add3A_323, %gather3A_329 : vector<16xf32>
        %eq3A_331 = arith.constant 6 : i32
        %eq3A_332 = vector.broadcast %eq3A_331 : i32 to vector<16xi32>
        %eq3A_333 = arith.cmpi eq, %iota3A, %eq3A_332 : vector<16xi32>
        %select_n3A_334 = arith.select %eq3A_333, %add3A_330, %select_n3A_293 : vector<16xi1>, vector<16xf32>
        %get3A_335 = arith.index_cast %scan3A_49 : i32 to index
        %get3A_336 = arith.constant 112 : index
        %get3A_337 = tpu.vector_load %arg18[%get3A_335, %get3A_336] {strides = array<i32>} : memref<80x128xf32, #tpu.memory_space<vmem>>, vector<1x16xf32>,
        %get3A_338 = vector.shape_cast %get3A_337 : vector<1x16xf32> to vector<16xf32>
        %get3A_339 = arith.index_cast %scan3A_49 : i32 to index
        %get3A_340 = arith.constant 112 : index
        %get3A_341 = tpu.vector_load %arg19[%get3A_339, %get3A_340] {strides = array<i32>} : memref<80x128xf32, #tpu.memory_space<vmem>>, vector<1x16xf32>,
        %get3A_342 = vector.shape_cast %get3A_341 : vector<1x16xf32> to vector<16xf32>
        %mul3A_343 = arith.mulf %get3A_338, %get3A_342 : vector<16xf32>
        %xor3A_344 = arith.constant 8 : i32
        %xor3A_345 = vector.broadcast %xor3A_344 : i32 to vector<16xi32>
        %xor3A_346 = arith.xori %iota3A, %xor3A_345 : vector<16xi32>
        %broadcast_in_dim3A_347 = vector.shape_cast %xor3A_346 : vector<16xi32> to vector<16x1xi32>
        %gather3A_348 = vector.shape_cast %broadcast_in_dim3A_347 : vector<16x1xi32> to vector<16xi32>
        %gather3A_349 = tpu.dynamic_gather %mul3A_343[%gather3A_348] in [0] : vector<16xf32>, vector<16xi32> -> vector<16xf32>
        %add3A_350 = arith.addf %mul3A_343, %gather3A_349 : vector<16xf32>
        %xor3A_351 = arith.constant 4 : i32
        %xor3A_352 = vector.broadcast %xor3A_351 : i32 to vector<16xi32>
        %xor3A_353 = arith.xori %iota3A, %xor3A_352 : vector<16xi32>
        %broadcast_in_dim3A_354 = vector.shape_cast %xor3A_353 : vector<16xi32> to vector<16x1xi32>
        %gather3A_355 = vector.shape_cast %broadcast_in_dim3A_354 : vector<16x1xi32> to vector<16xi32>
        %gather3A_356 = tpu.dynamic_gather %add3A_350[%gather3A_355] in [0] : vector<16xf32>, vector<16xi32> -> vector<16xf32>
        %add3A_357 = arith.addf %add3A_350, %gather3A_356 : vector<16xf32>
        %xor3A_358 = arith.constant 2 : i32
        %xor3A_359 = vector.broadcast %xor3A_358 : i32 to vector<16xi32>
        %xor3A_360 = arith.xori %iota3A, %xor3A_359 : vector<16xi32>
        %broadcast_in_dim3A_361 = vector.shape_cast %xor3A_360 : vector<16xi32> to vector<16x1xi32>
        %gather3A_362 = vector.shape_cast %broadcast_in_dim3A_361 : vector<16x1xi32> to vector<16xi32>
        %gather3A_363 = tpu.dynamic_gather %add3A_357[%gather3A_362] in [0] : vector<16xf32>, vector<16xi32> -> vector<16xf32>
        %add3A_364 = arith.addf %add3A_357, %gather3A_363 : vector<16xf32>
        %xor3A_365 = arith.constant 1 : i32
        %xor3A_366 = vector.broadcast %xor3A_365 : i32 to vector<16xi32>
        %xor3A_367 = arith.xori %iota3A, %xor3A_366 : vector<16xi32>
        %broadcast_in_dim3A_368 = vector.shape_cast %xor3A_367 : vector<16xi32> to vector<16x1xi32>
        %gather3A_369 = vector.shape_cast %broadcast_in_dim3A_368 : vector<16x1xi32> to vector<16xi32>
        %gather3A_370 = tpu.dynamic_gather %add3A_364[%gather3A_369] in [0] : vector<16xf32>, vector<16xi32> -> vector<16xf32>
        %add3A_371 = arith.addf %add3A_364, %gather3A_370 : vector<16xf32>
        %eq3A_372 = arith.constant 7 : i32
        %eq3A_373 = vector.broadcast %eq3A_372 : i32 to vector<16xi32>
        %eq3A_374 = arith.cmpi eq, %iota3A, %eq3A_373 : vector<16xi32>
        %select_n3A_375 = arith.select %eq3A_374, %add3A_371, %select_n3A_334 : vector<16xi1>, vector<16xf32>
        %exp3A = math.exp %select_n3A_375 : vector<16xf32>
        %lt3A_376 = arith.constant 8 : i32
        %lt3A_377 = vector.broadcast %lt3A_376 : i32 to vector<16xi32>
        %lt3A_378 = arith.cmpi slt, %iota3A, %lt3A_377 : vector<16xi32>
        %eq3A_379 = arith.constant 8 : i32
        %eq3A_380 = vector.broadcast %eq3A_379 : i32 to vector<16xi32>
        %eq3A_381 = arith.cmpi eq, %iota3A, %eq3A_380 : vector<16xi32>
        %jit3A = arith.constant 1.000000e+00 : f32
        %jit3A_382 = arith.constant 0.000000e+00 : f32
        %broadcast_in_dim3A_383 = vector.broadcast %jit3A : f32 to vector<16xf32>
        %broadcast_in_dim3A_384 = vector.broadcast %jit3A_382 : f32 to vector<16xf32>
        %select_n3A_385 = arith.select %eq3A_381, %broadcast_in_dim3A_383, %broadcast_in_dim3A_384 : vector<16xi1>, vector<16xf32>
        %select_n3A_386 = arith.select %lt3A_378, %exp3A, %select_n3A_385 : vector<16xi1>, vector<16xf32>
        %swap3A = arith.index_cast %scan3A_49 : i32 to index
        %swap3A_387 = arith.constant 0 : index
        %swap3A_388 = tpu.vector_load %arg21[%swap3A, %swap3A_387] {strides = array<i32>} : memref<80x16xf32, #tpu.memory_space<vmem>>, vector<1x16xf32>,
        %swap3A_389 = vector.shape_cast %swap3A_388 : vector<1x16xf32> to vector<16xf32>
        %swap3A_390 = vector.shape_cast %select_n3A_386 : vector<16xf32> to vector<1x16xf32>
        tpu.vector_store %arg21[%swap3A, %swap3A_387], %swap3A_390 {strides = array<i32>} : memref<80x16xf32, #tpu.memory_space<vmem>>, vector<1x16xf32>,
        %get3A_391 = arith.index_cast %scan3A_49 : i32 to index
        %get3A_392 = tpu.vector_load %arg16[%get3A_391] {strides = array<i32>} : memref<96xi32, #tpu.memory_space<vmem>>, vector<16xi32>,
        %get3A_393 = vector.shape_cast %get3A_392 : vector<16xi32> to vector<16xi32>
        %slice3A = vector.extract_strided_slice %get3A_393 {offsets = [0], sizes = [1], strides = [1]} : vector<16xi32> to vector<1xi32>
        %squeeze3A = vector.extract %slice3A[0] : i32 from vector<1xi32>
        %eq3A_394 = arith.constant 0 : i32
        %eq3A_395 = arith.cmpi eq, %squeeze3A, %eq3A_394 : i32
        %select_n3A_396 = arith.select %eq3A_395, %select_n3A_386, %broadcast_in_dim3A_3 : vector<16xf32>
        %swap3A_397 = arith.index_cast %scan3A_49 : i32 to index
        %swap3A_398 = arith.constant 0 : index
        %swap3A_399 = tpu.vector_load %arg20[%swap3A_397, %swap3A_398] {strides = array<i32>} : memref<80x128xf32, #tpu.memory_space<vmem>>, vector<1x16xf32>,
        %swap3A_400 = vector.shape_cast %swap3A_399 : vector<1x16xf32> to vector<16xf32>
        %swap3A_401 = vector.shape_cast %select_n3A_396 : vector<16xf32> to vector<1x16xf32>
        tpu.vector_store %arg20[%swap3A_397, %swap3A_398], %swap3A_401 {strides = array<i32>} : memref<80x128xf32, #tpu.memory_space<vmem>>, vector<1x16xf32>,
        %eq3A_402 = arith.constant 16 : i32
        %eq3A_403 = arith.cmpi eq, %squeeze3A, %eq3A_402 : i32
        %select_n3A_404 = arith.select %eq3A_403, %select_n3A_386, %broadcast_in_dim3A_3 : vector<16xf32>
        %swap3A_405 = arith.index_cast %scan3A_49 : i32 to index
        %swap3A_406 = arith.constant 16 : index
        %swap3A_407 = tpu.vector_load %arg20[%swap3A_405, %swap3A_406] {strides = array<i32>} : memref<80x128xf32, #tpu.memory_space<vmem>>, vector<1x16xf32>,
        %swap3A_408 = vector.shape_cast %swap3A_407 : vector<1x16xf32> to vector<16xf32>
        %swap3A_409 = vector.shape_cast %select_n3A_404 : vector<16xf32> to vector<1x16xf32>
        tpu.vector_store %arg20[%swap3A_405, %swap3A_406], %swap3A_409 {strides = array<i32>} : memref<80x128xf32, #tpu.memory_space<vmem>>, vector<1x16xf32>,
        %eq3A_410 = arith.constant 32 : i32
        %eq3A_411 = arith.cmpi eq, %squeeze3A, %eq3A_410 : i32
        %select_n3A_412 = arith.select %eq3A_411, %select_n3A_386, %broadcast_in_dim3A_3 : vector<16xf32>
        %swap3A_413 = arith.index_cast %scan3A_49 : i32 to index
        %swap3A_414 = arith.constant 32 : index
        %swap3A_415 = tpu.vector_load %arg20[%swap3A_413, %swap3A_414] {strides = array<i32>} : memref<80x128xf32, #tpu.memory_space<vmem>>, vector<1x16xf32>,
        %swap3A_416 = vector.shape_cast %swap3A_415 : vector<1x16xf32> to vector<16xf32>
        %swap3A_417 = vector.shape_cast %select_n3A_412 : vector<16xf32> to vector<1x16xf32>
        tpu.vector_store %arg20[%swap3A_413, %swap3A_414], %swap3A_417 {strides = array<i32>} : memref<80x128xf32, #tpu.memory_space<vmem>>, vector<1x16xf32>,
        %eq3A_418 = arith.constant 48 : i32
        %eq3A_419 = arith.cmpi eq, %squeeze3A, %eq3A_418 : i32
        %select_n3A_420 = arith.select %eq3A_419, %select_n3A_386, %broadcast_in_dim3A_3 : vector<16xf32>
        %swap3A_421 = arith.index_cast %scan3A_49 : i32 to index
        %swap3A_422 = arith.constant 48 : index
        %swap3A_423 = tpu.vector_load %arg20[%swap3A_421, %swap3A_422] {strides = array<i32>} : memref<80x128xf32, #tpu.memory_space<vmem>>, vector<1x16xf32>,
        %swap3A_424 = vector.shape_cast %swap3A_423 : vector<1x16xf32> to vector<16xf32>
        %swap3A_425 = vector.shape_cast %select_n3A_420 : vector<16xf32> to vector<1x16xf32>
        tpu.vector_store %arg20[%swap3A_421, %swap3A_422], %swap3A_425 {strides = array<i32>} : memref<80x128xf32, #tpu.memory_space<vmem>>, vector<1x16xf32>,
        %eq3A_426 = arith.constant 64 : i32
        %eq3A_427 = arith.cmpi eq, %squeeze3A, %eq3A_426 : i32
        %select_n3A_428 = arith.select %eq3A_427, %select_n3A_386, %broadcast_in_dim3A_3 : vector<16xf32>
        %swap3A_429 = arith.index_cast %scan3A_49 : i32 to index
        %swap3A_430 = arith.constant 64 : index
        %swap3A_431 = tpu.vector_load %arg20[%swap3A_429, %swap3A_430] {strides = array<i32>} : memref<80x128xf32, #tpu.memory_space<vmem>>, vector<1x16xf32>,
        %swap3A_432 = vector.shape_cast %swap3A_431 : vector<1x16xf32> to vector<16xf32>
        %swap3A_433 = vector.shape_cast %select_n3A_428 : vector<16xf32> to vector<1x16xf32>
        tpu.vector_store %arg20[%swap3A_429, %swap3A_430], %swap3A_433 {strides = array<i32>} : memref<80x128xf32, #tpu.memory_space<vmem>>, vector<1x16xf32>,
        %eq3A_434 = arith.constant 80 : i32
        %eq3A_435 = arith.cmpi eq, %squeeze3A, %eq3A_434 : i32
        %select_n3A_436 = arith.select %eq3A_435, %select_n3A_386, %broadcast_in_dim3A_3 : vector<16xf32>
        %swap3A_437 = arith.index_cast %scan3A_49 : i32 to index
        %swap3A_438 = arith.constant 80 : index
        %swap3A_439 = tpu.vector_load %arg20[%swap3A_437, %swap3A_438] {strides = array<i32>} : memref<80x128xf32, #tpu.memory_space<vmem>>, vector<1x16xf32>,
        %swap3A_440 = vector.shape_cast %swap3A_439 : vector<1x16xf32> to vector<16xf32>
        %swap3A_441 = vector.shape_cast %select_n3A_436 : vector<16xf32> to vector<1x16xf32>
        tpu.vector_store %arg20[%swap3A_437, %swap3A_438], %swap3A_441 {strides = array<i32>} : memref<80x128xf32, #tpu.memory_space<vmem>>, vector<1x16xf32>,
        %eq3A_442 = arith.constant 96 : i32
        %eq3A_443 = arith.cmpi eq, %squeeze3A, %eq3A_442 : i32
        %select_n3A_444 = arith.select %eq3A_443, %select_n3A_386, %broadcast_in_dim3A_3 : vector<16xf32>
        %swap3A_445 = arith.index_cast %scan3A_49 : i32 to index
        %swap3A_446 = arith.constant 96 : index
        %swap3A_447 = tpu.vector_load %arg20[%swap3A_445, %swap3A_446] {strides = array<i32>} : memref<80x128xf32, #tpu.memory_space<vmem>>, vector<1x16xf32>,
        %swap3A_448 = vector.shape_cast %swap3A_447 : vector<1x16xf32> to vector<16xf32>
        %swap3A_449 = vector.shape_cast %select_n3A_444 : vector<16xf32> to vector<1x16xf32>
        tpu.vector_store %arg20[%swap3A_445, %swap3A_446], %swap3A_449 {strides = array<i32>} : memref<80x128xf32, #tpu.memory_space<vmem>>, vector<1x16xf32>,
        %eq3A_450 = arith.constant 112 : i32
        %eq3A_451 = arith.cmpi eq, %squeeze3A, %eq3A_450 : i32
        %select_n3A_452 = arith.select %eq3A_451, %select_n3A_386, %broadcast_in_dim3A_3 : vector<16xf32>
        %swap3A_453 = arith.index_cast %scan3A_49 : i32 to index
        %swap3A_454 = arith.constant 112 : index
        %swap3A_455 = tpu.vector_load %arg20[%swap3A_453, %swap3A_454] {strides = array<i32>} : memref<80x128xf32, #tpu.memory_space<vmem>>, vector<1x16xf32>,
        %swap3A_456 = vector.shape_cast %swap3A_455 : vector<1x16xf32> to vector<16xf32>
        %swap3A_457 = vector.shape_cast %select_n3A_452 : vector<16xf32> to vector<1x16xf32>
        tpu.vector_store %arg20[%swap3A_453, %swap3A_454], %swap3A_457 {strides = array<i32>} : memref<80x128xf32, #tpu.memory_space<vmem>>, vector<1x16xf32>,
      }
      %scan3A_44 = arith.constant 80 : i32
      "tpu.region"() ({
        %run_scoped3A = tpu.sem_alloc : memref<!tpu.dma_semaphore, #tpu.memory_space<semaphore_mem>>
        %dma_start3A_49 = arith.constant 0 : i32
        %dma_start3A_50 = arith.constant 0 : i32
        %dma_start3A_51 = tpu.memref_slice %arg24[%dma_start3A_49, %dma_start3A_50] : memref<1250x128xf32, #tpu.memory_space<vmem_shared>> -> memref<1250x128xf32, #tpu.memory_space<vmem_shared>>
        tpu.enqueue_indirect_dma source(%arg20 : memref<80x128xf32, #tpu.memory_space<vmem>>) target(%dma_start3A_51 : memref<1250x128xf32, #tpu.memory_space<vmem_shared>>) offsets(%arg15 : memref<80xi32, #tpu.memory_space<vmem>>) semaphore(%run_scoped3A : memref<!tpu.dma_semaphore, #tpu.memory_space<semaphore_mem>>) {add = true}
        %dma_wait3A_52 = arith.constant 0 : i32
        %dma_wait3A_53 = arith.constant 0 : i32
        %dma_wait3A_54 = tpu.memref_slice %arg24[%dma_wait3A_52, %dma_wait3A_53] : memref<1250x128xf32, #tpu.memory_space<vmem_shared>> -> memref<1250x128xf32, #tpu.memory_space<vmem_shared>>
        tpu.wait_indirect_dma semaphore(%run_scoped3A : memref<!tpu.dma_semaphore, #tpu.memory_space<semaphore_mem>>) src(%arg20 : memref<80x128xf32, #tpu.memory_space<vmem>>) dst(%dma_wait3A_54 : memref<1250x128xf32, #tpu.memory_space<vmem_shared>>)
        tpu.yield
      }) : () -> ()
      %lt3A = arith.constant 10000 : i32
      %lt3A_45 = arith.cmpi slt, %add3A_26, %lt3A : i32
      %convert_element_type3A_46 = arith.extui %lt3A_45 : i1 to i32
      %cond3A_47 = arith.constant 0 : i32
      %cond3A_48 = arith.cmpi ne, %convert_element_type3A_46, %cond3A_47 : i32
      scf.if %cond3A_48 {
        "tpu.region"() ({
          %run_scoped3A = tpu.sem_alloc : memref<!tpu.dma_semaphore, #tpu.memory_space<semaphore_mem>>
          %dma_start3A_49 = arith.constant 0 : i32
          %dma_start3A_50 = tpu.memref_slice %arg11[%add3A_26, %dma_start3A_49] : memref<10000x16xf32, #tpu.memory_space<hbm>> -> memref<80x16xf32, #tpu.memory_space<hbm>>
          %dma_start3A_51 = arith.constant 0 : i32
          %dma_start3A_52 = tpu.memref_slice %arg11[%add3A_26, %dma_start3A_51] : memref<10000x16xf32, #tpu.memory_space<hbm>> -> memref<80x16xf32, #tpu.memory_space<hbm>>
          tpu.enqueue_dma source(%arg21 : memref<80x16xf32, #tpu.memory_space<vmem>>) target(%dma_start3A_52 : memref<80x16xf32, #tpu.memory_space<hbm>>) target_semaphore(%run_scoped3A : memref<!tpu.dma_semaphore, #tpu.memory_space<semaphore_mem>>)
          %dma_wait3A_53 = arith.constant 0 : i32
          %dma_wait3A_54 = tpu.memref_slice %arg11[%add3A_26, %dma_wait3A_53] : memref<10000x16xf32, #tpu.memory_space<hbm>> -> memref<80x16xf32, #tpu.memory_space<hbm>>
          %dma_wait3A_55 = arith.constant 0 : i32
          %dma_wait3A_56 = tpu.memref_slice %arg11[%add3A_26, %dma_wait3A_55] : memref<10000x16xf32, #tpu.memory_space<hbm>> -> memref<80x16xf32, #tpu.memory_space<hbm>>
          tpu.wait_dma2 semaphore(%run_scoped3A : memref<!tpu.dma_semaphore, #tpu.memory_space<semaphore_mem>>) src(%arg21 : memref<80x16xf32, #tpu.memory_space<vmem>>) dst(%dma_wait3A_56 : memref<80x16xf32, #tpu.memory_space<hbm>>)
          tpu.yield
        }) : () -> ()
      } else {
      }
    }
    %scan3A_8 = arith.constant 125 : i32
    %mul3A_9 = arith.constant 320 : i32
    %mul3A_10 = arith.muli %add3A, %mul3A_9 : i32
    "tpu.region"() ({
      %run_scoped3A = tpu.sem_alloc : memref<!tpu.dma_semaphore, #tpu.memory_space<semaphore_mem>>
      %dma_start3A_21 = tpu.memref_slice %arg9[%mul3A_10] : memref<10240xi32, #tpu.memory_space<hbm>> -> memref<320xi32, #tpu.memory_space<hbm>>
      %dma_start3A_22 = tpu.memref_slice %arg9[%mul3A_10] : memref<10240xi32, #tpu.memory_space<hbm>> -> memref<320xi32, #tpu.memory_space<hbm>>
      tpu.enqueue_dma source(%dma_start3A_22 : memref<320xi32, #tpu.memory_space<hbm>>) target(%arg22 : memref<320xi32, #tpu.memory_space<vmem>>) target_semaphore(%run_scoped3A : memref<!tpu.dma_semaphore, #tpu.memory_space<semaphore_mem>>)
      %dma_wait3A_23 = tpu.memref_slice %arg9[%mul3A_10] : memref<10240xi32, #tpu.memory_space<hbm>> -> memref<320xi32, #tpu.memory_space<hbm>>
      %dma_wait3A_24 = tpu.memref_slice %arg9[%mul3A_10] : memref<10240xi32, #tpu.memory_space<hbm>> -> memref<320xi32, #tpu.memory_space<hbm>>
      tpu.wait_dma2 semaphore(%run_scoped3A : memref<!tpu.dma_semaphore, #tpu.memory_space<semaphore_mem>>) src(%dma_wait3A_24 : memref<320xi32, #tpu.memory_space<hbm>>) dst(%arg22 : memref<320xi32, #tpu.memory_space<vmem>>)
      tpu.yield
    }) : () -> ()
    %dma_start3A = arith.constant 0 : i32
    %dma_start3A_11 = arith.constant 0 : i32
    %dma_start3A_12 = tpu.memref_slice %arg4[%dma_start3A, %dma_start3A_11] : memref<20000x128xf32, #tpu.memory_space<hbm>> -> memref<20000x128xf32, #tpu.memory_space<hbm>>
    tpu.enqueue_indirect_dma source(%dma_start3A_12 : memref<20000x128xf32, #tpu.memory_space<hbm>>) target(%arg23 : memref<320x128xf32, #tpu.memory_space<vmem>>) offsets(%arg22 : memref<320xi32, #tpu.memory_space<vmem>>) semaphore(%arg25 : memref<!tpu.dma_semaphore, #tpu.memory_space<semaphore_mem>>)
    %dma_wait3A = arith.constant 0 : i32
    %dma_wait3A_13 = arith.constant 0 : i32
    %dma_wait3A_14 = tpu.memref_slice %arg4[%dma_wait3A, %dma_wait3A_13] : memref<20000x128xf32, #tpu.memory_space<hbm>> -> memref<20000x128xf32, #tpu.memory_space<hbm>>
    tpu.wait_indirect_dma semaphore(%arg25 : memref<!tpu.dma_semaphore, #tpu.memory_space<semaphore_mem>>) src(%dma_wait3A_14 : memref<20000x128xf32, #tpu.memory_space<hbm>>) dst(%arg23 : memref<320x128xf32, #tpu.memory_space<vmem>>)
    "tpu.region"() ({
      %run_scoped3A = tpu.sem_alloc : memref<!tpu.dma_semaphore, #tpu.memory_space<semaphore_mem>>
      %dma_start3A_21 = arith.constant 0 : i32
      %dma_start3A_22 = tpu.memref_slice %arg13[%mul3A_10, %dma_start3A_21] : memref<10240x128xf32, #tpu.memory_space<hbm>> -> memref<320x128xf32, #tpu.memory_space<hbm>>
      %dma_start3A_23 = arith.constant 0 : i32
      %dma_start3A_24 = tpu.memref_slice %arg13[%mul3A_10, %dma_start3A_23] : memref<10240x128xf32, #tpu.memory_space<hbm>> -> memref<320x128xf32, #tpu.memory_space<hbm>>
      tpu.enqueue_dma source(%arg23 : memref<320x128xf32, #tpu.memory_space<vmem>>) target(%dma_start3A_24 : memref<320x128xf32, #tpu.memory_space<hbm>>) target_semaphore(%run_scoped3A : memref<!tpu.dma_semaphore, #tpu.memory_space<semaphore_mem>>)
      %dma_wait3A_25 = arith.constant 0 : i32
      %dma_wait3A_26 = tpu.memref_slice %arg13[%mul3A_10, %dma_wait3A_25] : memref<10240x128xf32, #tpu.memory_space<hbm>> -> memref<320x128xf32, #tpu.memory_space<hbm>>
      %dma_wait3A_27 = arith.constant 0 : i32
      %dma_wait3A_28 = tpu.memref_slice %arg13[%mul3A_10, %dma_wait3A_27] : memref<10240x128xf32, #tpu.memory_space<hbm>> -> memref<320x128xf32, #tpu.memory_space<hbm>>
      tpu.wait_dma2 semaphore(%run_scoped3A : memref<!tpu.dma_semaphore, #tpu.memory_space<semaphore_mem>>) src(%arg23 : memref<320x128xf32, #tpu.memory_space<vmem>>) dst(%dma_wait3A_28 : memref<320x128xf32, #tpu.memory_space<hbm>>)
      tpu.yield
    }) : () -> ()
    %barrier3A_15 = arith.constant 0 : index
    tpu.barrier barrier_id(%barrier3A_15)
    %eq3A_16 = arith.constant 0 : i32
    %eq3A_17 = arith.cmpi eq, %arg1, %eq3A_16 : i32
    %convert_element_type3A_18 = arith.extui %eq3A_17 : i1 to i32
    %cond3A_19 = arith.constant 0 : i32
    %cond3A_20 = arith.cmpi ne, %convert_element_type3A_18, %cond3A_19 : i32
    scf.if %cond3A_20 {
      "tpu.region"() ({
        %run_scoped3A = tpu.sem_alloc : memref<!tpu.dma_semaphore, #tpu.memory_space<semaphore_mem>>
        %dma_start3A_21 = arith.constant 0 : i32
        %dma_start3A_22 = arith.constant 0 : i32
        %dma_start3A_23 = tpu.memref_slice %arg12[%arg0, %dma_start3A_21, %dma_start3A_22] : memref<2x1250x128xf32, #tpu.memory_space<hbm>> -> memref<1x1250x128xf32, #tpu.memory_space<hbm>>
        %dma_start3A_24 = tpu.memref_squeeze %dma_start3A_23 : memref<1x1250x128xf32, #tpu.memory_space<hbm>> -> memref<1250x128xf32, #tpu.memory_space<hbm>>
        tpu.enqueue_dma source(%arg24 : memref<1250x128xf32, #tpu.memory_space<vmem_shared>>) target(%dma_start3A_24 : memref<1250x128xf32, #tpu.memory_space<hbm>>) target_semaphore(%run_scoped3A : memref<!tpu.dma_semaphore, #tpu.memory_space<semaphore_mem>>)
        %dma_wait3A_25 = arith.constant 0 : i32
        %dma_wait3A_26 = arith.constant 0 : i32
        %dma_wait3A_27 = tpu.memref_slice %arg12[%arg0, %dma_wait3A_25, %dma_wait3A_26] : memref<2x1250x128xf32, #tpu.memory_space<hbm>> -> memref<1x1250x128xf32, #tpu.memory_space<hbm>>
        %dma_wait3A_28 = tpu.memref_squeeze %dma_wait3A_27 : memref<1x1250x128xf32, #tpu.memory_space<hbm>> -> memref<1250x128xf32, #tpu.memory_space<hbm>>
        tpu.wait_dma2 semaphore(%run_scoped3A : memref<!tpu.dma_semaphore, #tpu.memory_space<semaphore_mem>>) src(%arg24 : memref<1250x128xf32, #tpu.memory_space<vmem_shared>>) dst(%dma_wait3A_28 : memref<1250x128xf32, #tpu.memory_space<hbm>>)
        tpu.yield
      }) : () -> ()
    } else {
    }
    return
  }
}

#map = affine_map<(d0, d1) -> (0, 0)>
#map1 = affine_map<(d0, d1) -> (0)>
module attributes {stable_mosaic.version = 14 : i64} {
  func.func @k(%arg0: i32, %arg1: i32, %arg2: memref<1250x128xf32, #tpu.memory_space<hbm>>, %arg3: memref<1250x128xf32, #tpu.memory_space<hbm>>, %arg4: memref<10240xi32, #tpu.memory_space<hbm>>, %arg5: memref<10240x128xf32, #tpu.memory_space<hbm>>, %arg6: memref<320xi32, #tpu.memory_space<vmem>>, %arg7: memref<320x128xf32, #tpu.memory_space<vmem>>, %arg8: memref<320x128xf32, #tpu.memory_space<vmem>>, %arg9: memref<!tpu.dma_semaphore, #tpu.memory_space<semaphore_mem>>) attributes {dimension_semantics = [#tpu.dimension_semantics<core_parallel>, #tpu.dimension_semantics<subcore_parallel>], iteration_bounds = array<i64: 2, 16>, scalar_prefetch = 0 : i64, scratch_operands = 4 : i64, tpu.core_type = #tpu.core_type<sc_vector_subcore>, window_params = [{transform_indices = #map}, {transform_indices = #map}, {transform_indices = #map1}, {transform_indices = #map}]} {
    %mul3A = arith.constant 2 : i32
    %mul3A_0 = arith.muli %arg1, %mul3A : i32
    %add3A = arith.addi %mul3A_0, %arg0 : i32
    %mul3A_1 = arith.constant 320 : i32
    %mul3A_2 = arith.muli %add3A, %mul3A_1 : i32
    "tpu.region"() ({
      %run_scoped3A = tpu.sem_alloc : memref<!tpu.dma_semaphore, #tpu.memory_space<semaphore_mem>>
      %dma_start3A_18 = tpu.memref_slice %arg4[%mul3A_2] : memref<10240xi32, #tpu.memory_space<hbm>> -> memref<320xi32, #tpu.memory_space<hbm>>
      %dma_start3A_19 = tpu.memref_slice %arg4[%mul3A_2] : memref<10240xi32, #tpu.memory_space<hbm>> -> memref<320xi32, #tpu.memory_space<hbm>>
      tpu.enqueue_dma source(%dma_start3A_19 : memref<320xi32, #tpu.memory_space<hbm>>) target(%arg6 : memref<320xi32, #tpu.memory_space<vmem>>) target_semaphore(%run_scoped3A : memref<!tpu.dma_semaphore, #tpu.memory_space<semaphore_mem>>)
      %dma_wait3A_20 = tpu.memref_slice %arg4[%mul3A_2] : memref<10240xi32, #tpu.memory_space<hbm>> -> memref<320xi32, #tpu.memory_space<hbm>>
      %dma_wait3A_21 = tpu.memref_slice %arg4[%mul3A_2] : memref<10240xi32, #tpu.memory_space<hbm>> -> memref<320xi32, #tpu.memory_space<hbm>>
      tpu.wait_dma2 semaphore(%run_scoped3A : memref<!tpu.dma_semaphore, #tpu.memory_space<semaphore_mem>>) src(%dma_wait3A_21 : memref<320xi32, #tpu.memory_space<hbm>>) dst(%arg6 : memref<320xi32, #tpu.memory_space<vmem>>)
      tpu.yield
    }) : () -> ()
    %dma_start3A = arith.constant 0 : i32
    %dma_start3A_3 = arith.constant 0 : i32
    %dma_start3A_4 = tpu.memref_slice %arg2[%dma_start3A, %dma_start3A_3] : memref<1250x128xf32, #tpu.memory_space<hbm>> -> memref<1250x128xf32, #tpu.memory_space<hbm>>
    tpu.enqueue_indirect_dma source(%dma_start3A_4 : memref<1250x128xf32, #tpu.memory_space<hbm>>) target(%arg7 : memref<320x128xf32, #tpu.memory_space<vmem>>) offsets(%arg6 : memref<320xi32, #tpu.memory_space<vmem>>) semaphore(%arg9 : memref<!tpu.dma_semaphore, #tpu.memory_space<semaphore_mem>>)
    %dma_wait3A = arith.constant 0 : i32
    %dma_wait3A_5 = arith.constant 0 : i32
    %dma_wait3A_6 = tpu.memref_slice %arg2[%dma_wait3A, %dma_wait3A_5] : memref<1250x128xf32, #tpu.memory_space<hbm>> -> memref<1250x128xf32, #tpu.memory_space<hbm>>
    tpu.wait_indirect_dma semaphore(%arg9 : memref<!tpu.dma_semaphore, #tpu.memory_space<semaphore_mem>>) src(%dma_wait3A_6 : memref<1250x128xf32, #tpu.memory_space<hbm>>) dst(%arg7 : memref<320x128xf32, #tpu.memory_space<vmem>>)
    %dma_start3A_7 = arith.constant 0 : i32
    %dma_start3A_8 = arith.constant 0 : i32
    %dma_start3A_9 = tpu.memref_slice %arg3[%dma_start3A_7, %dma_start3A_8] : memref<1250x128xf32, #tpu.memory_space<hbm>> -> memref<1250x128xf32, #tpu.memory_space<hbm>>
    tpu.enqueue_indirect_dma source(%dma_start3A_9 : memref<1250x128xf32, #tpu.memory_space<hbm>>) target(%arg8 : memref<320x128xf32, #tpu.memory_space<vmem>>) offsets(%arg6 : memref<320xi32, #tpu.memory_space<vmem>>) semaphore(%arg9 : memref<!tpu.dma_semaphore, #tpu.memory_space<semaphore_mem>>)
    %dma_wait3A_10 = arith.constant 0 : i32
    %dma_wait3A_11 = arith.constant 0 : i32
    %dma_wait3A_12 = tpu.memref_slice %arg3[%dma_wait3A_10, %dma_wait3A_11] : memref<1250x128xf32, #tpu.memory_space<hbm>> -> memref<1250x128xf32, #tpu.memory_space<hbm>>
    tpu.wait_indirect_dma semaphore(%arg9 : memref<!tpu.dma_semaphore, #tpu.memory_space<semaphore_mem>>) src(%dma_wait3A_12 : memref<1250x128xf32, #tpu.memory_space<hbm>>) dst(%arg8 : memref<320x128xf32, #tpu.memory_space<vmem>>)
    %scan3A = arith.constant 0 : i32
    %scan3A_13 = arith.constant 0 : i32
    %scan3A_14 = arith.constant 320 : i32
    %scan3A_15 = arith.addi %scan3A_13, %scan3A_14 : i32
    %scan3A_16 = arith.constant 1 : i32
    scf.for %scan3A_18 = %scan3A_13 to %scan3A_15 step %scan3A_16  : i32 {
      %get3A = arith.index_cast %scan3A_18 : i32 to index
      %get3A_19 = arith.constant 0 : index
      %get3A_20 = tpu.vector_load %arg7[%get3A, %get3A_19] {strides = array<i32>} : memref<320x128xf32, #tpu.memory_space<vmem>>, vector<1x128xf32>,
      %get3A_21 = vector.shape_cast %get3A_20 : vector<1x128xf32> to vector<128xf32>
      %get3A_22 = arith.index_cast %scan3A_18 : i32 to index
      %get3A_23 = arith.constant 0 : index
      %get3A_24 = tpu.vector_load %arg8[%get3A_22, %get3A_23] {strides = array<i32>} : memref<320x128xf32, #tpu.memory_space<vmem>>, vector<1x128xf32>,
      %get3A_25 = vector.shape_cast %get3A_24 : vector<1x128xf32> to vector<128xf32>
      %add3A_26 = arith.addf %get3A_21, %get3A_25 : vector<128xf32>
      %swap3A = arith.index_cast %scan3A_18 : i32 to index
      %swap3A_27 = arith.constant 0 : index
      %swap3A_28 = tpu.vector_load %arg7[%swap3A, %swap3A_27] {strides = array<i32>} : memref<320x128xf32, #tpu.memory_space<vmem>>, vector<1x128xf32>,
      %swap3A_29 = vector.shape_cast %swap3A_28 : vector<1x128xf32> to vector<128xf32>
      %swap3A_30 = vector.shape_cast %add3A_26 : vector<128xf32> to vector<1x128xf32>
      tpu.vector_store %arg7[%swap3A, %swap3A_27], %swap3A_30 {strides = array<i32>} : memref<320x128xf32, #tpu.memory_space<vmem>>, vector<1x128xf32>,
    }
    %scan3A_17 = arith.constant 320 : i32
    "tpu.region"() ({
      %run_scoped3A = tpu.sem_alloc : memref<!tpu.dma_semaphore, #tpu.memory_space<semaphore_mem>>
      %dma_start3A_18 = arith.constant 0 : i32
      %dma_start3A_19 = tpu.memref_slice %arg5[%mul3A_2, %dma_start3A_18] : memref<10240x128xf32, #tpu.memory_space<hbm>> -> memref<320x128xf32, #tpu.memory_space<hbm>>
      %dma_start3A_20 = arith.constant 0 : i32
      %dma_start3A_21 = tpu.memref_slice %arg5[%mul3A_2, %dma_start3A_20] : memref<10240x128xf32, #tpu.memory_space<hbm>> -> memref<320x128xf32, #tpu.memory_space<hbm>>
      tpu.enqueue_dma source(%arg7 : memref<320x128xf32, #tpu.memory_space<vmem>>) target(%dma_start3A_21 : memref<320x128xf32, #tpu.memory_space<hbm>>) target_semaphore(%run_scoped3A : memref<!tpu.dma_semaphore, #tpu.memory_space<semaphore_mem>>)
      %dma_wait3A_22 = arith.constant 0 : i32
      %dma_wait3A_23 = tpu.memref_slice %arg5[%mul3A_2, %dma_wait3A_22] : memref<10240x128xf32, #tpu.memory_space<hbm>> -> memref<320x128xf32, #tpu.memory_space<hbm>>
      %dma_wait3A_24 = arith.constant 0 : i32
      %dma_wait3A_25 = tpu.memref_slice %arg5[%mul3A_2, %dma_wait3A_24] : memref<10240x128xf32, #tpu.memory_space<hbm>> -> memref<320x128xf32, #tpu.memory_space<hbm>>
      tpu.wait_dma2 semaphore(%run_scoped3A : memref<!tpu.dma_semaphore, #tpu.memory_space<semaphore_mem>>) src(%arg7 : memref<320x128xf32, #tpu.memory_space<vmem>>) dst(%dma_wait3A_25 : memref<320x128xf32, #tpu.memory_space<hbm>>)
      tpu.yield
    }) : () -> ()
    return
  }
}

module attributes {stable_mosaic.version = 14 : i64} {
  func.func @_p1_body(%arg0: i32, %arg1: memref<400x128xf32, #tpu.memory_space<vmem>>, %arg2: memref<400x1xf32, #tpu.memory_space<vmem>>, %arg3: memref<128x128xf32, #tpu.memory_space<vmem>>, %arg4: memref<128x128xf32, #tpu.memory_space<vmem>>, %arg5: memref<1x128xf32, #tpu.memory_space<vmem>>, %arg6: memref<1x128xf32, #tpu.memory_space<vmem>>, %arg7: memref<128x128xf32, #tpu.memory_space<vmem>>, %arg8: memref<128x128xf32, #tpu.memory_space<vmem>>, %arg9: memref<1x128xf32, #tpu.memory_space<vmem>>, %arg10: memref<1x128xf32, #tpu.memory_space<vmem>>, %arg11: memref<128x128xf32, #tpu.memory_space<vmem>>, %arg12: memref<128x128xf32, #tpu.memory_space<vmem>>, %arg13: memref<1x128xf32, #tpu.memory_space<vmem>>, %arg14: memref<1x128xf32, #tpu.memory_space<vmem>>, %arg15: memref<128x128xf32, #tpu.memory_space<vmem>>, %arg16: memref<128x128xf32, #tpu.memory_space<vmem>>, %arg17: memref<128x128xf32, #tpu.memory_space<vmem>>, %arg18: memref<128x128xf32, #tpu.memory_space<vmem>>, %arg19: memref<400x128xf32, #tpu.memory_space<vmem>>, %arg20: memref<400x2x128xf32, #tpu.memory_space<vmem>>, %arg21: memref<400x2x128xf32, #tpu.memory_space<vmem>>) attributes {dimension_semantics = [#tpu.dimension_semantics<arbitrary>], iteration_bounds = array<i64: 25>, scalar_prefetch = 0 : i64, scratch_operands = 0 : i64, tpu.core_type = #tpu.core_type<tc>, window_params = [{transform_indices = @transform_0, window_bounds = array<i64: 400, 128>}, {transform_indices = @transform_1, window_bounds = array<i64: 400, 1>}, {pipeline_mode = #tpu.pipeline_mode<synchronous>, transform_indices = @transform_2, window_bounds = array<i64: 128, 128>}, {pipeline_mode = #tpu.pipeline_mode<synchronous>, transform_indices = @transform_3, window_bounds = array<i64: 128, 128>}, {pipeline_mode = #tpu.pipeline_mode<synchronous>, transform_indices = @transform_4, window_bounds = array<i64: 1, 128>}, {pipeline_mode = #tpu.pipeline_mode<synchronous>, transform_indices = @transform_5, window_bounds = array<i64: 1, 128>}, {pipeline_mode = #tpu.pipeline_mode<synchronous>, transform_indices = @transform_6, window_bounds = array<i64: 128, 128>}, {pipeline_mode = #tpu.pipeline_mode<synchronous>, transform_indices = @transform_7, window_bounds = array<i64: 128, 128>}, {pipeline_mode = #tpu.pipeline_mode<synchronous>, transform_indices = @transform_8, window_bounds = array<i64: 1, 128>}, {pipeline_mode = #tpu.pipeline_mode<synchronous>, transform_indices = @transform_9, window_bounds = array<i64: 1, 128>}, {pipeline_mode = #tpu.pipeline_mode<synchronous>, transform_indices = @transform_10, window_bounds = array<i64: 128, 128>}, {pipeline_mode = #tpu.pipeline_mode<synchronous>, transform_indices = @transform_11, window_bounds = array<i64: 128, 128>}, {pipeline_mode = #tpu.pipeline_mode<synchronous>, transform_indices = @transform_12, window_bounds = array<i64: 1, 128>}, {pipeline_mode = #tpu.pipeline_mode<synchronous>, transform_indices = @transform_13, window_bounds = array<i64: 1, 128>}, {pipeline_mode = #tpu.pipeline_mode<synchronous>, transform_indices = @transform_14, window_bounds = array<i64: 128, 128>}, {pipeline_mode = #tpu.pipeline_mode<synchronous>, transform_indices = @transform_15, window_bounds = array<i64: 128, 128>}, {pipeline_mode = #tpu.pipeline_mode<synchronous>, transform_indices = @transform_16, window_bounds = array<i64: 128, 128>}, {pipeline_mode = #tpu.pipeline_mode<synchronous>, transform_indices = @transform_17, window_bounds = array<i64: 128, 128>}, {transform_indices = @transform_18, window_bounds = array<i64: 400, 128>}, {transform_indices = @transform_19, window_bounds = array<i64: 400, 2, 128>}, {transform_indices = @transform_20, window_bounds = array<i64: 400, 2, 128>}]} {
    %get3A = arith.constant 0 : index
    %get3A_0 = arith.constant 0 : index
    %get3A_1 = vector.load %arg1[%get3A, %get3A_0] : memref<400x128xf32, #tpu.memory_space<vmem>>, vector<400x128xf32>
    %get3A_2 = arith.constant 0 : index
    %get3A_3 = arith.constant 0 : index
    %get3A_4 = vector.load %arg2[%get3A_2, %get3A_3] : memref<400x1xf32, #tpu.memory_space<vmem>>, vector<400x1xf32>
    %eq3A = arith.constant 0.000000e+00 : f32
    %eq3A_5 = vector.broadcast %eq3A : f32 to vector<400x1xf32>
    %eq3A_6 = arith.cmpf oeq, %get3A_4, %eq3A_5 : vector<400x1xf32>
    %get3A_7 = arith.constant 0 : index
    %get3A_8 = arith.constant 0 : index
    %get3A_9 = vector.load %arg3[%get3A_7, %get3A_8] : memref<128x128xf32, #tpu.memory_space<vmem>>, vector<128x128xf32>
    %dot_general3A = arith.constant dense<0.000000e+00> : vector<400x128xf32>
    %dot_general3A_10 = tpu.matmul %get3A_1, %get3A_9, %dot_general3A {dimension_numbers = #tpu.dot_dimension_numbers<[1], [0], [0], [1], [0, 0, 1, 1], [], []>, transpose_lhs_hint = false} : vector<400x128xf32>, vector<128x128xf32>, vector<400x128xf32> -> vector<400x128xf32>
    %get3A_11 = arith.constant 0 : index
    %get3A_12 = arith.constant 0 : index
    %get3A_13 = vector.load %arg5[%get3A_11, %get3A_12] : memref<1x128xf32, #tpu.memory_space<vmem>>, vector<1x128xf32>
    %add3A = vector.broadcast %get3A_13 : vector<1x128xf32> to vector<400x128xf32>
    %add3A_14 = arith.addf %dot_general3A_10, %add3A : vector<400x128xf32>
    %get3A_15 = arith.constant 0 : index
    %get3A_16 = arith.constant 0 : index
    %get3A_17 = vector.load %arg4[%get3A_15, %get3A_16] : memref<128x128xf32, #tpu.memory_space<vmem>>, vector<128x128xf32>
    %dot_general3A_18 = arith.constant dense<0.000000e+00> : vector<400x128xf32>
    %dot_general3A_19 = tpu.matmul %get3A_1, %get3A_17, %dot_general3A_18 {dimension_numbers = #tpu.dot_dimension_numbers<[1], [0], [0], [1], [0, 0, 1, 1], [], []>, transpose_lhs_hint = false} : vector<400x128xf32>, vector<128x128xf32>, vector<400x128xf32> -> vector<400x128xf32>
    %get3A_20 = arith.constant 0 : index
    %get3A_21 = arith.constant 0 : index
    %get3A_22 = vector.load %arg6[%get3A_20, %get3A_21] : memref<1x128xf32, #tpu.memory_space<vmem>>, vector<1x128xf32>
    %add3A_23 = vector.broadcast %get3A_22 : vector<1x128xf32> to vector<400x128xf32>
    %add3A_24 = arith.addf %dot_general3A_19, %add3A_23 : vector<400x128xf32>
    %broadcast_in_dim3A = vector.shape_cast %eq3A_6 : vector<400x1xi1> to vector<400x1xi1>
    %broadcast_in_dim3A_25 = vector.broadcast %broadcast_in_dim3A : vector<400x1xi1> to vector<400x128xi1>
    %select_n3A = arith.select %broadcast_in_dim3A_25, %add3A_14, %add3A_24 : vector<400x128xi1>, vector<400x128xf32>
    %get3A_26 = arith.constant 0 : index
    %get3A_27 = arith.constant 0 : index
    %get3A_28 = vector.load %arg7[%get3A_26, %get3A_27] : memref<128x128xf32, #tpu.memory_space<vmem>>, vector<128x128xf32>
    %dot_general3A_29 = arith.constant dense<0.000000e+00> : vector<400x128xf32>
    %dot_general3A_30 = tpu.matmul %get3A_1, %get3A_28, %dot_general3A_29 {dimension_numbers = #tpu.dot_dimension_numbers<[1], [0], [0], [1], [0, 0, 1, 1], [], []>, transpose_lhs_hint = false} : vector<400x128xf32>, vector<128x128xf32>, vector<400x128xf32> -> vector<400x128xf32>
    %get3A_31 = arith.constant 0 : index
    %get3A_32 = arith.constant 0 : index
    %get3A_33 = vector.load %arg9[%get3A_31, %get3A_32] : memref<1x128xf32, #tpu.memory_space<vmem>>, vector<1x128xf32>
    %add3A_34 = vector.broadcast %get3A_33 : vector<1x128xf32> to vector<400x128xf32>
    %add3A_35 = arith.addf %dot_general3A_30, %add3A_34 : vector<400x128xf32>
    %get3A_36 = arith.constant 0 : index
    %get3A_37 = arith.constant 0 : index
    %get3A_38 = vector.load %arg8[%get3A_36, %get3A_37] : memref<128x128xf32, #tpu.memory_space<vmem>>, vector<128x128xf32>
    %dot_general3A_39 = arith.constant dense<0.000000e+00> : vector<400x128xf32>
    %dot_general3A_40 = tpu.matmul %get3A_1, %get3A_38, %dot_general3A_39 {dimension_numbers = #tpu.dot_dimension_numbers<[1], [0], [0], [1], [0, 0, 1, 1], [], []>, transpose_lhs_hint = false} : vector<400x128xf32>, vector<128x128xf32>, vector<400x128xf32> -> vector<400x128xf32>
    %get3A_41 = arith.constant 0 : index
    %get3A_42 = arith.constant 0 : index
    %get3A_43 = vector.load %arg10[%get3A_41, %get3A_42] : memref<1x128xf32, #tpu.memory_space<vmem>>, vector<1x128xf32>
    %add3A_44 = vector.broadcast %get3A_43 : vector<1x128xf32> to vector<400x128xf32>
    %add3A_45 = arith.addf %dot_general3A_40, %add3A_44 : vector<400x128xf32>
    %broadcast_in_dim3A_46 = vector.shape_cast %eq3A_6 : vector<400x1xi1> to vector<400x1xi1>
    %broadcast_in_dim3A_47 = vector.broadcast %broadcast_in_dim3A_46 : vector<400x1xi1> to vector<400x128xi1>
    %select_n3A_48 = arith.select %broadcast_in_dim3A_47, %add3A_35, %add3A_45 : vector<400x128xi1>, vector<400x128xf32>
    %get3A_49 = arith.constant 0 : index
    %get3A_50 = arith.constant 0 : index
    %get3A_51 = vector.load %arg11[%get3A_49, %get3A_50] : memref<128x128xf32, #tpu.memory_space<vmem>>, vector<128x128xf32>
    %dot_general3A_52 = arith.constant dense<0.000000e+00> : vector<400x128xf32>
    %dot_general3A_53 = tpu.matmul %get3A_1, %get3A_51, %dot_general3A_52 {dimension_numbers = #tpu.dot_dimension_numbers<[1], [0], [0], [1], [0, 0, 1, 1], [], []>, transpose_lhs_hint = false} : vector<400x128xf32>, vector<128x128xf32>, vector<400x128xf32> -> vector<400x128xf32>
    %get3A_54 = arith.constant 0 : index
    %get3A_55 = arith.constant 0 : index
    %get3A_56 = vector.load %arg13[%get3A_54, %get3A_55] : memref<1x128xf32, #tpu.memory_space<vmem>>, vector<1x128xf32>
    %add3A_57 = vector.broadcast %get3A_56 : vector<1x128xf32> to vector<400x128xf32>
    %add3A_58 = arith.addf %dot_general3A_53, %add3A_57 : vector<400x128xf32>
    %get3A_59 = arith.constant 0 : index
    %get3A_60 = arith.constant 0 : index
    %get3A_61 = vector.load %arg12[%get3A_59, %get3A_60] : memref<128x128xf32, #tpu.memory_space<vmem>>, vector<128x128xf32>
    %dot_general3A_62 = arith.constant dense<0.000000e+00> : vector<400x128xf32>
    %dot_general3A_63 = tpu.matmul %get3A_1, %get3A_61, %dot_general3A_62 {dimension_numbers = #tpu.dot_dimension_numbers<[1], [0], [0], [1], [0, 0, 1, 1], [], []>, transpose_lhs_hint = false} : vector<400x128xf32>, vector<128x128xf32>, vector<400x128xf32> -> vector<400x128xf32>
    %get3A_64 = arith.constant 0 : index
    %get3A_65 = arith.constant 0 : index
    %get3A_66 = vector.load %arg14[%get3A_64, %get3A_65] : memref<1x128xf32, #tpu.memory_space<vmem>>, vector<1x128xf32>
    %add3A_67 = vector.broadcast %get3A_66 : vector<1x128xf32> to vector<400x128xf32>
    %add3A_68 = arith.addf %dot_general3A_63, %add3A_67 : vector<400x128xf32>
    %broadcast_in_dim3A_69 = vector.shape_cast %eq3A_6 : vector<400x1xi1> to vector<400x1xi1>
    %broadcast_in_dim3A_70 = vector.broadcast %broadcast_in_dim3A_69 : vector<400x1xi1> to vector<400x128xi1>
    %select_n3A_71 = arith.select %broadcast_in_dim3A_70, %add3A_58, %add3A_68 : vector<400x128xi1>, vector<400x128xf32>
    %swap3A = arith.constant 0 : index
    %swap3A_72 = arith.constant 0 : index
    %swap3A_73 = vector.load %arg19[%swap3A, %swap3A_72] : memref<400x128xf32, #tpu.memory_space<vmem>>, vector<400x128xf32>
    tpu.vector_store %arg19[%swap3A, %swap3A_72], %select_n3A {strides = array<i32>} : memref<400x128xf32, #tpu.memory_space<vmem>>, vector<400x128xf32>,
    %get3A_74 = arith.constant 0 : index
    %get3A_75 = arith.constant 0 : index
    %get3A_76 = vector.load %arg15[%get3A_74, %get3A_75] : memref<128x128xf32, #tpu.memory_space<vmem>>, vector<128x128xf32>
    %dot_general3A_77 = arith.constant dense<0.000000e+00> : vector<400x128xf32>
    %dot_general3A_78 = tpu.matmul %select_n3A_48, %get3A_76, %dot_general3A_77 {dimension_numbers = #tpu.dot_dimension_numbers<[1], [0], [0], [1], [0, 0, 1, 1], [], []>, transpose_lhs_hint = false} : vector<400x128xf32>, vector<128x128xf32>, vector<400x128xf32> -> vector<400x128xf32>
    %swap3A_79 = arith.constant 0 : index
    %swap3A_80 = arith.constant 0 : index
    %swap3A_81 = arith.constant 0 : index
    %swap3A_82 = vector.load %arg20[%swap3A_79, %swap3A_80, %swap3A_81] : memref<400x2x128xf32, #tpu.memory_space<vmem>>, vector<400x1x128xf32>
    %swap3A_83 = vector.shape_cast %swap3A_82 : vector<400x1x128xf32> to vector<400x128xf32>
    %swap3A_84 = vector.shape_cast %dot_general3A_78 : vector<400x128xf32> to vector<400x1x128xf32>
    tpu.vector_store %arg20[%swap3A_79, %swap3A_80, %swap3A_81], %swap3A_84 {strides = array<i32>} : memref<400x2x128xf32, #tpu.memory_space<vmem>>, vector<400x1x128xf32>,
    %get3A_85 = arith.constant 0 : index
    %get3A_86 = arith.constant 0 : index
    %get3A_87 = vector.load %arg16[%get3A_85, %get3A_86] : memref<128x128xf32, #tpu.memory_space<vmem>>, vector<128x128xf32>
    %dot_general3A_88 = arith.constant dense<0.000000e+00> : vector<400x128xf32>
    %dot_general3A_89 = tpu.matmul %select_n3A_48, %get3A_87, %dot_general3A_88 {dimension_numbers = #tpu.dot_dimension_numbers<[1], [0], [0], [1], [0, 0, 1, 1], [], []>, transpose_lhs_hint = false} : vector<400x128xf32>, vector<128x128xf32>, vector<400x128xf32> -> vector<400x128xf32>
    %swap3A_90 = arith.constant 0 : index
    %swap3A_91 = arith.constant 1 : index
    %swap3A_92 = arith.constant 0 : index
    %swap3A_93 = vector.load %arg20[%swap3A_90, %swap3A_91, %swap3A_92] : memref<400x2x128xf32, #tpu.memory_space<vmem>>, vector<400x1x128xf32>
    %swap3A_94 = vector.shape_cast %swap3A_93 : vector<400x1x128xf32> to vector<400x128xf32>
    %swap3A_95 = vector.shape_cast %dot_general3A_89 : vector<400x128xf32> to vector<400x1x128xf32>
    tpu.vector_store %arg20[%swap3A_90, %swap3A_91, %swap3A_92], %swap3A_95 {strides = array<i32>} : memref<400x2x128xf32, #tpu.memory_space<vmem>>, vector<400x1x128xf32>,
    %get3A_96 = arith.constant 0 : index
    %get3A_97 = arith.constant 0 : index
    %get3A_98 = vector.load %arg17[%get3A_96, %get3A_97] : memref<128x128xf32, #tpu.memory_space<vmem>>, vector<128x128xf32>
    %dot_general3A_99 = arith.constant dense<0.000000e+00> : vector<400x128xf32>
    %dot_general3A_100 = tpu.matmul %select_n3A_71, %get3A_98, %dot_general3A_99 {dimension_numbers = #tpu.dot_dimension_numbers<[1], [0], [0], [1], [0, 0, 1, 1], [], []>, transpose_lhs_hint = false} : vector<400x128xf32>, vector<128x128xf32>, vector<400x128xf32> -> vector<400x128xf32>
    %swap3A_101 = arith.constant 0 : index
    %swap3A_102 = arith.constant 0 : index
    %swap3A_103 = arith.constant 0 : index
    %swap3A_104 = vector.load %arg21[%swap3A_101, %swap3A_102, %swap3A_103] : memref<400x2x128xf32, #tpu.memory_space<vmem>>, vector<400x1x128xf32>
    %swap3A_105 = vector.shape_cast %swap3A_104 : vector<400x1x128xf32> to vector<400x128xf32>
    %swap3A_106 = vector.shape_cast %dot_general3A_100 : vector<400x128xf32> to vector<400x1x128xf32>
    tpu.vector_store %arg21[%swap3A_101, %swap3A_102, %swap3A_103], %swap3A_106 {strides = array<i32>} : memref<400x2x128xf32, #tpu.memory_space<vmem>>, vector<400x1x128xf32>,
    %get3A_107 = arith.constant 0 : index
    %get3A_108 = arith.constant 0 : index
    %get3A_109 = vector.load %arg18[%get3A_107, %get3A_108] : memref<128x128xf32, #tpu.memory_space<vmem>>, vector<128x128xf32>
    %dot_general3A_110 = arith.constant dense<0.000000e+00> : vector<400x128xf32>
    %dot_general3A_111 = tpu.matmul %select_n3A_71, %get3A_109, %dot_general3A_110 {dimension_numbers = #tpu.dot_dimension_numbers<[1], [0], [0], [1], [0, 0, 1, 1], [], []>, transpose_lhs_hint = false} : vector<400x128xf32>, vector<128x128xf32>, vector<400x128xf32> -> vector<400x128xf32>
    %swap3A_112 = arith.constant 0 : index
    %swap3A_113 = arith.constant 1 : index
    %swap3A_114 = arith.constant 0 : index
    %swap3A_115 = vector.load %arg21[%swap3A_112, %swap3A_113, %swap3A_114] : memref<400x2x128xf32, #tpu.memory_space<vmem>>, vector<400x1x128xf32>
    %swap3A_116 = vector.shape_cast %swap3A_115 : vector<400x1x128xf32> to vector<400x128xf32>
    %swap3A_117 = vector.shape_cast %dot_general3A_111 : vector<400x128xf32> to vector<400x1x128xf32>
    tpu.vector_store %arg21[%swap3A_112, %swap3A_113, %swap3A_114], %swap3A_117 {strides = array<i32>} : memref<400x2x128xf32, #tpu.memory_space<vmem>>, vector<400x1x128xf32>,
    return
  }
  func.func @transform_0(%arg0: i32) -> (i32, i32) {
    %c0_i32 = arith.constant 0 : i32
    %c0_i32_0 = arith.constant 0 : i32
    return %arg0, %c0_i32 : i32, i32
  }
  func.func @transform_1(%arg0: i32) -> (i32, i32) {
    %c0_i32 = arith.constant 0 : i32
    %c0_i32_0 = arith.constant 0 : i32
    return %arg0, %c0_i32 : i32, i32
  }
  func.func @transform_2(%arg0: i32) -> (i32, i32) {
    %c0_i32 = arith.constant 0 : i32
    %c0_i32_0 = arith.constant 0 : i32
    %c0_i32_1 = arith.constant 0 : i32
    return %c0_i32, %c0_i32_0 : i32, i32
  }
  func.func @transform_3(%arg0: i32) -> (i32, i32) {
    %c0_i32 = arith.constant 0 : i32
    %c0_i32_0 = arith.constant 0 : i32
    %c0_i32_1 = arith.constant 0 : i32
    return %c0_i32, %c0_i32_0 : i32, i32
  }
  func.func @transform_4(%arg0: i32) -> (i32, i32) {
    %c0_i32 = arith.constant 0 : i32
    %c0_i32_0 = arith.constant 0 : i32
    %c0_i32_1 = arith.constant 0 : i32
    return %c0_i32, %c0_i32_0 : i32, i32
  }
  func.func @transform_5(%arg0: i32) -> (i32, i32) {
    %c0_i32 = arith.constant 0 : i32
    %c0_i32_0 = arith.constant 0 : i32
    %c0_i32_1 = arith.constant 0 : i32
    return %c0_i32, %c0_i32_0 : i32, i32
  }
  func.func @transform_6(%arg0: i32) -> (i32, i32) {
    %c0_i32 = arith.constant 0 : i32
    %c0_i32_0 = arith.constant 0 : i32
    %c0_i32_1 = arith.constant 0 : i32
    return %c0_i32, %c0_i32_0 : i32, i32
  }
  func.func @transform_7(%arg0: i32) -> (i32, i32) {
    %c0_i32 = arith.constant 0 : i32
    %c0_i32_0 = arith.constant 0 : i32
    %c0_i32_1 = arith.constant 0 : i32
    return %c0_i32, %c0_i32_0 : i32, i32
  }
  func.func @transform_8(%arg0: i32) -> (i32, i32) {
    %c0_i32 = arith.constant 0 : i32
    %c0_i32_0 = arith.constant 0 : i32
    %c0_i32_1 = arith.constant 0 : i32
    return %c0_i32, %c0_i32_0 : i32, i32
  }
  func.func @transform_9(%arg0: i32) -> (i32, i32) {
    %c0_i32 = arith.constant 0 : i32
    %c0_i32_0 = arith.constant 0 : i32
    %c0_i32_1 = arith.constant 0 : i32
    return %c0_i32, %c0_i32_0 : i32, i32
  }
  func.func @transform_10(%arg0: i32) -> (i32, i32) {
    %c0_i32 = arith.constant 0 : i32
    %c0_i32_0 = arith.constant 0 : i32
    %c0_i32_1 = arith.constant 0 : i32
    return %c0_i32, %c0_i32_0 : i32, i32
  }
  func.func @transform_11(%arg0: i32) -> (i32, i32) {
    %c0_i32 = arith.constant 0 : i32
    %c0_i32_0 = arith.constant 0 : i32
    %c0_i32_1 = arith.constant 0 : i32
    return %c0_i32, %c0_i32_0 : i32, i32
  }
  func.func @transform_12(%arg0: i32) -> (i32, i32) {
    %c0_i32 = arith.constant 0 : i32
    %c0_i32_0 = arith.constant 0 : i32
    %c0_i32_1 = arith.constant 0 : i32
    return %c0_i32, %c0_i32_0 : i32, i32
  }
  func.func @transform_13(%arg0: i32) -> (i32, i32) {
    %c0_i32 = arith.constant 0 : i32
    %c0_i32_0 = arith.constant 0 : i32
    %c0_i32_1 = arith.constant 0 : i32
    return %c0_i32, %c0_i32_0 : i32, i32
  }
  func.func @transform_14(%arg0: i32) -> (i32, i32) {
    %c0_i32 = arith.constant 0 : i32
    %c0_i32_0 = arith.constant 0 : i32
    %c0_i32_1 = arith.constant 0 : i32
    return %c0_i32, %c0_i32_0 : i32, i32
  }
  func.func @transform_15(%arg0: i32) -> (i32, i32) {
    %c0_i32 = arith.constant 0 : i32
    %c0_i32_0 = arith.constant 0 : i32
    %c0_i32_1 = arith.constant 0 : i32
    return %c0_i32, %c0_i32_0 : i32, i32
  }
  func.func @transform_16(%arg0: i32) -> (i32, i32) {
    %c0_i32 = arith.constant 0 : i32
    %c0_i32_0 = arith.constant 0 : i32
    %c0_i32_1 = arith.constant 0 : i32
    return %c0_i32, %c0_i32_0 : i32, i32
  }
  func.func @transform_17(%arg0: i32) -> (i32, i32) {
    %c0_i32 = arith.constant 0 : i32
    %c0_i32_0 = arith.constant 0 : i32
    %c0_i32_1 = arith.constant 0 : i32
    return %c0_i32, %c0_i32_0 : i32, i32
  }
  func.func @transform_18(%arg0: i32) -> (i32, i32) {
    %c0_i32 = arith.constant 0 : i32
    %c0_i32_0 = arith.constant 0 : i32
    return %arg0, %c0_i32 : i32, i32
  }
  func.func @transform_19(%arg0: i32) -> (i32, i32, i32) {
    %c0_i32 = arith.constant 0 : i32
    %c0_i32_0 = arith.constant 0 : i32
    %c0_i32_1 = arith.constant 0 : i32
    return %arg0, %c0_i32, %c0_i32_0 : i32, i32, i32
  }
  func.func @transform_20(%arg0: i32) -> (i32, i32, i32) {
    %c0_i32 = arith.constant 0 : i32
    %c0_i32_0 = arith.constant 0 : i32
    %c0_i32_1 = arith.constant 0 : i32
    return %arg0, %c0_i32, %c0_i32_0 : i32, i32, i32
  }
}

module attributes {stable_mosaic.version = 14 : i64} {
  func.func @_p3_body(%arg0: i32, %arg1: memref<400x16xf32, #tpu.memory_space<vmem>>, %arg2: memref<400x128xf32, #tpu.memory_space<vmem>>, %arg3: memref<400x1xf32, #tpu.memory_space<vmem>>, %arg4: memref<400x16xf32, #tpu.memory_space<vmem>>, %arg5: memref<400x16xf32, #tpu.memory_space<vmem>>, %arg6: memref<400x128xf32, #tpu.memory_space<vmem>>, %arg7: memref<400x128xf32, #tpu.memory_space<vmem>>, %arg8: memref<128x128xf32, #tpu.memory_space<vmem>>, %arg9: memref<128x128xf32, #tpu.memory_space<vmem>>, %arg10: memref<128x128xf32, #tpu.memory_space<vmem>>, %arg11: memref<128x128xf32, #tpu.memory_space<vmem>>, %arg12: memref<128x128xf32, #tpu.memory_space<vmem>>, %arg13: memref<128x128xf32, #tpu.memory_space<vmem>>, %arg14: memref<128x128xf32, #tpu.memory_space<vmem>>, %arg15: memref<1x128xf32, #tpu.memory_space<vmem>>, %arg16: memref<128x128xf32, #tpu.memory_space<vmem>>, %arg17: memref<1x128xf32, #tpu.memory_space<vmem>>, %arg18: memref<400x128xf32, #tpu.memory_space<vmem>>) attributes {dimension_semantics = [#tpu.dimension_semantics<arbitrary>], iteration_bounds = array<i64: 25>, scalar_prefetch = 0 : i64, scratch_operands = 0 : i64, tpu.core_type = #tpu.core_type<tc>, window_params = [{transform_indices = @transform_0, window_bounds = array<i64: 400, 16>}, {transform_indices = @transform_1, window_bounds = array<i64: 400, 128>}, {transform_indices = @transform_2, window_bounds = array<i64: 400, 1>}, {transform_indices = @transform_3, window_bounds = array<i64: 400, 16>}, {transform_indices = @transform_4, window_bounds = array<i64: 400, 16>}, {transform_indices = @transform_5, window_bounds = array<i64: 400, 128>}, {transform_indices = @transform_6, window_bounds = array<i64: 400, 128>}, {pipeline_mode = #tpu.pipeline_mode<synchronous>, transform_indices = @transform_7, window_bounds = array<i64: 128, 128>}, {pipeline_mode = #tpu.pipeline_mode<synchronous>, transform_indices = @transform_8, window_bounds = array<i64: 128, 128>}, {pipeline_mode = #tpu.pipeline_mode<synchronous>, transform_indices = @transform_9, window_bounds = array<i64: 128, 128>}, {pipeline_mode = #tpu.pipeline_mode<synchronous>, transform_indices = @transform_10, window_bounds = array<i64: 128, 128>}, {pipeline_mode = #tpu.pipeline_mode<synchronous>, transform_indices = @transform_11, window_bounds = array<i64: 128, 128>}, {pipeline_mode = #tpu.pipeline_mode<synchronous>, transform_indices = @transform_12, window_bounds = array<i64: 128, 128>}, {pipeline_mode = #tpu.pipeline_mode<synchronous>, transform_indices = @transform_13, window_bounds = array<i64: 128, 128>}, {pipeline_mode = #tpu.pipeline_mode<synchronous>, transform_indices = @transform_14, window_bounds = array<i64: 1, 128>}, {pipeline_mode = #tpu.pipeline_mode<synchronous>, transform_indices = @transform_15, window_bounds = array<i64: 128, 128>}, {pipeline_mode = #tpu.pipeline_mode<synchronous>, transform_indices = @transform_16, window_bounds = array<i64: 1, 128>}, {transform_indices = @transform_17, window_bounds = array<i64: 400, 128>}]} {
    %get3A = arith.constant 0 : index
    %get3A_0 = arith.constant 0 : index
    %get3A_1 = vector.load %arg1[%get3A, %get3A_0] : memref<400x16xf32, #tpu.memory_space<vmem>>, vector<400x16xf32>
    %slice3A = vector.extract_strided_slice %get3A_1 {offsets = [0, 0], sizes = [400, 8], strides = [1, 1]} : vector<400x16xf32> to vector<400x8xf32>
    %get3A_2 = arith.constant 0 : index
    %get3A_3 = arith.constant 0 : index
    %get3A_4 = vector.load %arg2[%get3A_2, %get3A_3] : memref<400x128xf32, #tpu.memory_space<vmem>>, vector<400x128xf32>
    %get3A_5 = arith.constant 0 : index
    %get3A_6 = arith.constant 0 : index
    %get3A_7 = vector.load %arg3[%get3A_5, %get3A_6] : memref<400x1xf32, #tpu.memory_space<vmem>>, vector<400x1xf32>
    %broadcast_in_dim3A = arith.constant 0.000000e+00 : f32
    %broadcast_in_dim3A_8 = vector.broadcast %broadcast_in_dim3A : f32 to vector<400x16xf32>
    %eq3A = arith.constant 0.000000e+00 : f32
    %eq3A_9 = vector.broadcast %eq3A : f32 to vector<400x1xf32>
    %eq3A_10 = arith.cmpf oeq, %get3A_7, %eq3A_9 : vector<400x1xf32>
    %slice3A_11 = vector.extract_strided_slice %get3A_4 {offsets = [0, 0], sizes = [400, 16], strides = [1, 1]} : vector<400x128xf32> to vector<400x16xf32>
    %jit3A = arith.constant 0.000000e+00 : f32
    %broadcast_in_dim3A_12 = vector.shape_cast %eq3A_10 : vector<400x1xi1> to vector<400x1xi1>
    %broadcast_in_dim3A_13 = vector.broadcast %broadcast_in_dim3A_12 : vector<400x1xi1> to vector<400x16xi1>
    %broadcast_in_dim3A_14 = vector.broadcast %jit3A : f32 to vector<400x16xf32>
    %select_n3A = arith.select %broadcast_in_dim3A_13, %slice3A_11, %broadcast_in_dim3A_14 : vector<400x16xi1>, vector<400x16xf32>
    %add3A = arith.addf %broadcast_in_dim3A_8, %select_n3A : vector<400x16xf32>
    %eq3A_15 = arith.constant 1.000000e+00 : f32
    %eq3A_16 = vector.broadcast %eq3A_15 : f32 to vector<400x1xf32>
    %eq3A_17 = arith.cmpf oeq, %get3A_7, %eq3A_16 : vector<400x1xf32>
    %slice3A_18 = vector.extract_strided_slice %get3A_4 {offsets = [0, 16], sizes = [400, 16], strides = [1, 1]} : vector<400x128xf32> to vector<400x16xf32>
    %jit3A_19 = arith.constant 0.000000e+00 : f32
    %broadcast_in_dim3A_20 = vector.shape_cast %eq3A_17 : vector<400x1xi1> to vector<400x1xi1>
    %broadcast_in_dim3A_21 = vector.broadcast %broadcast_in_dim3A_20 : vector<400x1xi1> to vector<400x16xi1>
    %broadcast_in_dim3A_22 = vector.broadcast %jit3A_19 : f32 to vector<400x16xf32>
    %select_n3A_23 = arith.select %broadcast_in_dim3A_21, %slice3A_18, %broadcast_in_dim3A_22 : vector<400x16xi1>, vector<400x16xf32>
    %add3A_24 = arith.addf %add3A, %select_n3A_23 : vector<400x16xf32>
    %eq3A_25 = arith.constant 2.000000e+00 : f32
    %eq3A_26 = vector.broadcast %eq3A_25 : f32 to vector<400x1xf32>
    %eq3A_27 = arith.cmpf oeq, %get3A_7, %eq3A_26 : vector<400x1xf32>
    %slice3A_28 = vector.extract_strided_slice %get3A_4 {offsets = [0, 32], sizes = [400, 16], strides = [1, 1]} : vector<400x128xf32> to vector<400x16xf32>
    %jit3A_29 = arith.constant 0.000000e+00 : f32
    %broadcast_in_dim3A_30 = vector.shape_cast %eq3A_27 : vector<400x1xi1> to vector<400x1xi1>
    %broadcast_in_dim3A_31 = vector.broadcast %broadcast_in_dim3A_30 : vector<400x1xi1> to vector<400x16xi1>
    %broadcast_in_dim3A_32 = vector.broadcast %jit3A_29 : f32 to vector<400x16xf32>
    %select_n3A_33 = arith.select %broadcast_in_dim3A_31, %slice3A_28, %broadcast_in_dim3A_32 : vector<400x16xi1>, vector<400x16xf32>
    %add3A_34 = arith.addf %add3A_24, %select_n3A_33 : vector<400x16xf32>
    %eq3A_35 = arith.constant 3.000000e+00 : f32
    %eq3A_36 = vector.broadcast %eq3A_35 : f32 to vector<400x1xf32>
    %eq3A_37 = arith.cmpf oeq, %get3A_7, %eq3A_36 : vector<400x1xf32>
    %slice3A_38 = vector.extract_strided_slice %get3A_4 {offsets = [0, 48], sizes = [400, 16], strides = [1, 1]} : vector<400x128xf32> to vector<400x16xf32>
    %jit3A_39 = arith.constant 0.000000e+00 : f32
    %broadcast_in_dim3A_40 = vector.shape_cast %eq3A_37 : vector<400x1xi1> to vector<400x1xi1>
    %broadcast_in_dim3A_41 = vector.broadcast %broadcast_in_dim3A_40 : vector<400x1xi1> to vector<400x16xi1>
    %broadcast_in_dim3A_42 = vector.broadcast %jit3A_39 : f32 to vector<400x16xf32>
    %select_n3A_43 = arith.select %broadcast_in_dim3A_41, %slice3A_38, %broadcast_in_dim3A_42 : vector<400x16xi1>, vector<400x16xf32>
    %add3A_44 = arith.addf %add3A_34, %select_n3A_43 : vector<400x16xf32>
    %eq3A_45 = arith.constant 4.000000e+00 : f32
    %eq3A_46 = vector.broadcast %eq3A_45 : f32 to vector<400x1xf32>
    %eq3A_47 = arith.cmpf oeq, %get3A_7, %eq3A_46 : vector<400x1xf32>
    %slice3A_48 = vector.extract_strided_slice %get3A_4 {offsets = [0, 64], sizes = [400, 16], strides = [1, 1]} : vector<400x128xf32> to vector<400x16xf32>
    %jit3A_49 = arith.constant 0.000000e+00 : f32
    %broadcast_in_dim3A_50 = vector.shape_cast %eq3A_47 : vector<400x1xi1> to vector<400x1xi1>
    %broadcast_in_dim3A_51 = vector.broadcast %broadcast_in_dim3A_50 : vector<400x1xi1> to vector<400x16xi1>
    %broadcast_in_dim3A_52 = vector.broadcast %jit3A_49 : f32 to vector<400x16xf32>
    %select_n3A_53 = arith.select %broadcast_in_dim3A_51, %slice3A_48, %broadcast_in_dim3A_52 : vector<400x16xi1>, vector<400x16xf32>
    %add3A_54 = arith.addf %add3A_44, %select_n3A_53 : vector<400x16xf32>
    %eq3A_55 = arith.constant 5.000000e+00 : f32
    %eq3A_56 = vector.broadcast %eq3A_55 : f32 to vector<400x1xf32>
    %eq3A_57 = arith.cmpf oeq, %get3A_7, %eq3A_56 : vector<400x1xf32>
    %slice3A_58 = vector.extract_strided_slice %get3A_4 {offsets = [0, 80], sizes = [400, 16], strides = [1, 1]} : vector<400x128xf32> to vector<400x16xf32>
    %jit3A_59 = arith.constant 0.000000e+00 : f32
    %broadcast_in_dim3A_60 = vector.shape_cast %eq3A_57 : vector<400x1xi1> to vector<400x1xi1>
    %broadcast_in_dim3A_61 = vector.broadcast %broadcast_in_dim3A_60 : vector<400x1xi1> to vector<400x16xi1>
    %broadcast_in_dim3A_62 = vector.broadcast %jit3A_59 : f32 to vector<400x16xf32>
    %select_n3A_63 = arith.select %broadcast_in_dim3A_61, %slice3A_58, %broadcast_in_dim3A_62 : vector<400x16xi1>, vector<400x16xf32>
    %add3A_64 = arith.addf %add3A_54, %select_n3A_63 : vector<400x16xf32>
    %eq3A_65 = arith.constant 6.000000e+00 : f32
    %eq3A_66 = vector.broadcast %eq3A_65 : f32 to vector<400x1xf32>
    %eq3A_67 = arith.cmpf oeq, %get3A_7, %eq3A_66 : vector<400x1xf32>
    %slice3A_68 = vector.extract_strided_slice %get3A_4 {offsets = [0, 96], sizes = [400, 16], strides = [1, 1]} : vector<400x128xf32> to vector<400x16xf32>
    %jit3A_69 = arith.constant 0.000000e+00 : f32
    %broadcast_in_dim3A_70 = vector.shape_cast %eq3A_67 : vector<400x1xi1> to vector<400x1xi1>
    %broadcast_in_dim3A_71 = vector.broadcast %broadcast_in_dim3A_70 : vector<400x1xi1> to vector<400x16xi1>
    %broadcast_in_dim3A_72 = vector.broadcast %jit3A_69 : f32 to vector<400x16xf32>
    %select_n3A_73 = arith.select %broadcast_in_dim3A_71, %slice3A_68, %broadcast_in_dim3A_72 : vector<400x16xi1>, vector<400x16xf32>
    %add3A_74 = arith.addf %add3A_64, %select_n3A_73 : vector<400x16xf32>
    %eq3A_75 = arith.constant 7.000000e+00 : f32
    %eq3A_76 = vector.broadcast %eq3A_75 : f32 to vector<400x1xf32>
    %eq3A_77 = arith.cmpf oeq, %get3A_7, %eq3A_76 : vector<400x1xf32>
    %slice3A_78 = vector.extract_strided_slice %get3A_4 {offsets = [0, 112], sizes = [400, 16], strides = [1, 1]} : vector<400x128xf32> to vector<400x16xf32>
    %jit3A_79 = arith.constant 0.000000e+00 : f32
    %broadcast_in_dim3A_80 = vector.shape_cast %eq3A_77 : vector<400x1xi1> to vector<400x1xi1>
    %broadcast_in_dim3A_81 = vector.broadcast %broadcast_in_dim3A_80 : vector<400x1xi1> to vector<400x16xi1>
    %broadcast_in_dim3A_82 = vector.broadcast %jit3A_79 : f32 to vector<400x16xf32>
    %select_n3A_83 = arith.select %broadcast_in_dim3A_81, %slice3A_78, %broadcast_in_dim3A_82 : vector<400x16xi1>, vector<400x16xf32>
    %add3A_84 = arith.addf %add3A_74, %select_n3A_83 : vector<400x16xf32>
    %slice3A_85 = vector.extract_strided_slice %add3A_84 {offsets = [0, 0], sizes = [400, 8], strides = [1, 1]} : vector<400x16xf32> to vector<400x8xf32>
    %add3A_86 = arith.constant 1.000000e-16 : f32
    %add3A_87 = vector.broadcast %add3A_86 : f32 to vector<400x8xf32>
    %add3A_88 = arith.addf %slice3A_85, %add3A_87 : vector<400x8xf32>
    %div3A = arith.divf %slice3A, %add3A_88 : vector<400x8xf32>
    %get3A_89 = arith.constant 0 : index
    %get3A_90 = arith.constant 0 : index
    %get3A_91 = vector.load %arg4[%get3A_89, %get3A_90] : memref<400x16xf32, #tpu.memory_space<vmem>>, vector<400x16xf32>
    %slice3A_92 = vector.extract_strided_slice %get3A_91 {offsets = [0, 8], sizes = [400, 1], strides = [1, 1]} : vector<400x16xf32> to vector<400x1xf32>
    %get3A_93 = arith.constant 0 : index
    %get3A_94 = arith.constant 0 : index
    %get3A_95 = vector.load %arg5[%get3A_93, %get3A_94] : memref<400x16xf32, #tpu.memory_space<vmem>>, vector<400x16xf32>
    %slice3A_96 = vector.extract_strided_slice %get3A_95 {offsets = [0, 8], sizes = [400, 1], strides = [1, 1]} : vector<400x16xf32> to vector<400x1xf32>
    %add3A_97 = arith.addf %slice3A_92, %slice3A_96 : vector<400x1xf32>
    %get3A_98 = arith.constant 0 : index
    %get3A_99 = arith.constant 0 : index
    %get3A_100 = vector.load %arg6[%get3A_98, %get3A_99] : memref<400x128xf32, #tpu.memory_space<vmem>>, vector<400x128xf32>
    %slice3A_101 = vector.extract_strided_slice %div3A {offsets = [0, 0], sizes = [400, 1], strides = [1, 1]} : vector<400x8xf32> to vector<400x1xf32>
    %broadcast_in_dim3A_102 = vector.shape_cast %slice3A_101 : vector<400x1xf32> to vector<400x1xf32>
    %broadcast_in_dim3A_103 = vector.broadcast %broadcast_in_dim3A_102 : vector<400x1xf32> to vector<400x16xf32>
    %slice3A_104 = vector.extract_strided_slice %div3A {offsets = [0, 1], sizes = [400, 1], strides = [1, 1]} : vector<400x8xf32> to vector<400x1xf32>
    %broadcast_in_dim3A_105 = vector.shape_cast %slice3A_104 : vector<400x1xf32> to vector<400x1xf32>
    %broadcast_in_dim3A_106 = vector.broadcast %broadcast_in_dim3A_105 : vector<400x1xf32> to vector<400x16xf32>
    %slice3A_107 = vector.extract_strided_slice %div3A {offsets = [0, 2], sizes = [400, 1], strides = [1, 1]} : vector<400x8xf32> to vector<400x1xf32>
    %broadcast_in_dim3A_108 = vector.shape_cast %slice3A_107 : vector<400x1xf32> to vector<400x1xf32>
    %broadcast_in_dim3A_109 = vector.broadcast %broadcast_in_dim3A_108 : vector<400x1xf32> to vector<400x16xf32>
    %slice3A_110 = vector.extract_strided_slice %div3A {offsets = [0, 3], sizes = [400, 1], strides = [1, 1]} : vector<400x8xf32> to vector<400x1xf32>
    %broadcast_in_dim3A_111 = vector.shape_cast %slice3A_110 : vector<400x1xf32> to vector<400x1xf32>
    %broadcast_in_dim3A_112 = vector.broadcast %broadcast_in_dim3A_111 : vector<400x1xf32> to vector<400x16xf32>
    %slice3A_113 = vector.extract_strided_slice %div3A {offsets = [0, 4], sizes = [400, 1], strides = [1, 1]} : vector<400x8xf32> to vector<400x1xf32>
    %broadcast_in_dim3A_114 = vector.shape_cast %slice3A_113 : vector<400x1xf32> to vector<400x1xf32>
    %broadcast_in_dim3A_115 = vector.broadcast %broadcast_in_dim3A_114 : vector<400x1xf32> to vector<400x16xf32>
    %slice3A_116 = vector.extract_strided_slice %div3A {offsets = [0, 5], sizes = [400, 1], strides = [1, 1]} : vector<400x8xf32> to vector<400x1xf32>
    %broadcast_in_dim3A_117 = vector.shape_cast %slice3A_116 : vector<400x1xf32> to vector<400x1xf32>
    %broadcast_in_dim3A_118 = vector.broadcast %broadcast_in_dim3A_117 : vector<400x1xf32> to vector<400x16xf32>
    %slice3A_119 = vector.extract_strided_slice %div3A {offsets = [0, 6], sizes = [400, 1], strides = [1, 1]} : vector<400x8xf32> to vector<400x1xf32>
    %broadcast_in_dim3A_120 = vector.shape_cast %slice3A_119 : vector<400x1xf32> to vector<400x1xf32>
    %broadcast_in_dim3A_121 = vector.broadcast %broadcast_in_dim3A_120 : vector<400x1xf32> to vector<400x16xf32>
    %slice3A_122 = vector.extract_strided_slice %div3A {offsets = [0, 7], sizes = [400, 1], strides = [1, 1]} : vector<400x8xf32> to vector<400x1xf32>
    %broadcast_in_dim3A_123 = vector.shape_cast %slice3A_122 : vector<400x1xf32> to vector<400x1xf32>
    %broadcast_in_dim3A_124 = vector.broadcast %broadcast_in_dim3A_123 : vector<400x1xf32> to vector<400x16xf32>
    %concatenate3A = tpu.concatenate %broadcast_in_dim3A_103, %broadcast_in_dim3A_106, %broadcast_in_dim3A_109, %broadcast_in_dim3A_112, %broadcast_in_dim3A_115, %broadcast_in_dim3A_118, %broadcast_in_dim3A_121, %broadcast_in_dim3A_124 in 1 : vector<400x16xf32>, vector<400x16xf32>, vector<400x16xf32>, vector<400x16xf32>, vector<400x16xf32>, vector<400x16xf32>, vector<400x16xf32>, vector<400x16xf32> -> vector<400x128xf32>
    %mul3A = arith.mulf %get3A_100, %concatenate3A : vector<400x128xf32>
    %mul3A_125 = arith.mulf %get3A_100, %get3A_100 : vector<400x128xf32>
    %mul3A_126 = arith.mulf %mul3A_125, %concatenate3A : vector<400x128xf32>
    %mul3A_127 = arith.mulf %get3A_100, %get3A_100 : vector<400x128xf32>
    %mul3A_128 = arith.mulf %mul3A_127, %get3A_100 : vector<400x128xf32>
    %mul3A_129 = arith.mulf %mul3A_128, %concatenate3A : vector<400x128xf32>
    %mul3A_130 = vector.broadcast %add3A_97 : vector<400x1xf32> to vector<400x128xf32>
    %mul3A_131 = arith.mulf %mul3A_130, %mul3A : vector<400x128xf32>
    %mul3A_132 = vector.broadcast %add3A_97 : vector<400x1xf32> to vector<400x128xf32>
    %mul3A_133 = arith.mulf %mul3A_132, %mul3A_126 : vector<400x128xf32>
    %mul3A_134 = vector.broadcast %add3A_97 : vector<400x1xf32> to vector<400x128xf32>
    %mul3A_135 = arith.mulf %mul3A_134, %mul3A_129 : vector<400x128xf32>
    %sign3A = tpu.bitcast %mul3A_135 : vector<400x128xf32> -> vector<400x128xi32>
    %sign3A_136 = arith.constant -2147483648 : i32
    %sign3A_137 = vector.broadcast %sign3A_136 : i32 to vector<400x128xi32>
    %sign3A_138 = arith.andi %sign3A, %sign3A_137 : vector<400x128xi32>
    %sign3A_139 = arith.constant 1065353216 : i32
    %sign3A_140 = vector.broadcast %sign3A_139 : i32 to vector<400x128xi32>
    %sign3A_141 = arith.ori %sign3A_140, %sign3A_138 : vector<400x128xi32>
    %sign3A_142 = tpu.bitcast %sign3A_141 : vector<400x128xi32> -> vector<400x128xf32>
    %sign3A_143 = math.absf %mul3A_135 : vector<400x128xf32>
    %sign3A_144 = arith.constant 0.000000e+00 : f32
    %sign3A_145 = vector.broadcast %sign3A_144 : f32 to vector<400x128xf32>
    %sign3A_146 = arith.cmpf ogt, %sign3A_143, %sign3A_145 : vector<400x128xf32>
    %sign3A_147 = arith.select %sign3A_146, %sign3A_142, %mul3A_135 : vector<400x128xi1>, vector<400x128xf32>
    %abs3A = math.absf %mul3A_135 : vector<400x128xf32>
    %add3A_148 = arith.constant 1.000000e-18 : f32
    %add3A_149 = vector.broadcast %add3A_148 : f32 to vector<400x128xf32>
    %add3A_150 = arith.addf %abs3A, %add3A_149 : vector<400x128xf32>
    %log3A = math.log %add3A_150 : vector<400x128xf32>
    %mul3A_151 = arith.constant 0.333333343 : f32
    %mul3A_152 = vector.broadcast %mul3A_151 : f32 to vector<400x128xf32>
    %mul3A_153 = arith.mulf %log3A, %mul3A_152 : vector<400x128xf32>
    %exp3A = math.exp %mul3A_153 : vector<400x128xf32>
    %mul3A_154 = arith.mulf %sign3A_147, %exp3A : vector<400x128xf32>
    %get3A_155 = arith.constant 0 : index
    %get3A_156 = arith.constant 0 : index
    %get3A_157 = vector.load %arg8[%get3A_155, %get3A_156] : memref<128x128xf32, #tpu.memory_space<vmem>>, vector<128x128xf32>
    %dot_general3A = arith.constant dense<0.000000e+00> : vector<400x128xf32>
    %dot_general3A_158 = tpu.matmul %mul3A_131, %get3A_157, %dot_general3A {dimension_numbers = #tpu.dot_dimension_numbers<[1], [0], [0], [1], [0, 0, 1, 1], [], []>, transpose_lhs_hint = false} : vector<400x128xf32>, vector<128x128xf32>, vector<400x128xf32> -> vector<400x128xf32>
    %get3A_159 = arith.constant 0 : index
    %get3A_160 = arith.constant 0 : index
    %get3A_161 = vector.load %arg9[%get3A_159, %get3A_160] : memref<128x128xf32, #tpu.memory_space<vmem>>, vector<128x128xf32>
    %dot_general3A_162 = arith.constant dense<0.000000e+00> : vector<400x128xf32>
    %dot_general3A_163 = tpu.matmul %mul3A_133, %get3A_161, %dot_general3A_162 {dimension_numbers = #tpu.dot_dimension_numbers<[1], [0], [0], [1], [0, 0, 1, 1], [], []>, transpose_lhs_hint = false} : vector<400x128xf32>, vector<128x128xf32>, vector<400x128xf32> -> vector<400x128xf32>
    %get3A_164 = arith.constant 0 : index
    %get3A_165 = arith.constant 0 : index
    %get3A_166 = vector.load %arg10[%get3A_164, %get3A_165] : memref<128x128xf32, #tpu.memory_space<vmem>>, vector<128x128xf32>
    %dot_general3A_167 = arith.constant dense<0.000000e+00> : vector<400x128xf32>
    %dot_general3A_168 = tpu.matmul %mul3A_154, %get3A_166, %dot_general3A_167 {dimension_numbers = #tpu.dot_dimension_numbers<[1], [0], [0], [1], [0, 0, 1, 1], [], []>, transpose_lhs_hint = false} : vector<400x128xf32>, vector<128x128xf32>, vector<400x128xf32> -> vector<400x128xf32>
    %get3A_169 = arith.constant 0 : index
    %get3A_170 = arith.constant 0 : index
    %get3A_171 = vector.load %arg7[%get3A_169, %get3A_170] : memref<400x128xf32, #tpu.memory_space<vmem>>, vector<400x128xf32>
    %get3A_172 = arith.constant 0 : index
    %get3A_173 = arith.constant 0 : index
    %get3A_174 = vector.load %arg14[%get3A_172, %get3A_173] : memref<128x128xf32, #tpu.memory_space<vmem>>, vector<128x128xf32>
    %dot_general3A_175 = arith.constant dense<0.000000e+00> : vector<400x128xf32>
    %dot_general3A_176 = tpu.matmul %get3A_171, %get3A_174, %dot_general3A_175 {dimension_numbers = #tpu.dot_dimension_numbers<[1], [0], [0], [1], [0, 0, 1, 1], [], []>, transpose_lhs_hint = false} : vector<400x128xf32>, vector<128x128xf32>, vector<400x128xf32> -> vector<400x128xf32>
    %get3A_177 = arith.constant 0 : index
    %get3A_178 = arith.constant 0 : index
    %get3A_179 = vector.load %arg15[%get3A_177, %get3A_178] : memref<1x128xf32, #tpu.memory_space<vmem>>, vector<1x128xf32>
    %add3A_180 = vector.broadcast %get3A_179 : vector<1x128xf32> to vector<400x128xf32>
    %add3A_181 = arith.addf %dot_general3A_176, %add3A_180 : vector<400x128xf32>
    %broadcast_in_dim3A_182 = arith.constant 0.000000e+00 : f32
    %broadcast_in_dim3A_183 = vector.broadcast %broadcast_in_dim3A_182 : f32 to vector<400x128xf32>
    %get3A_184 = arith.constant 0 : index
    %get3A_185 = arith.constant 0 : index
    %get3A_186 = vector.load %arg11[%get3A_184, %get3A_185] : memref<128x128xf32, #tpu.memory_space<vmem>>, vector<128x128xf32>
    %dot_general3A_187 = arith.constant dense<0.000000e+00> : vector<400x128xf32>
    %dot_general3A_188 = tpu.matmul %add3A_181, %get3A_186, %dot_general3A_187 {dimension_numbers = #tpu.dot_dimension_numbers<[1], [0], [0], [1], [0, 0, 1, 1], [], []>, transpose_lhs_hint = false} : vector<400x128xf32>, vector<128x128xf32>, vector<400x128xf32> -> vector<400x128xf32>
    %get3A_189 = arith.constant 0 : index
    %get3A_190 = arith.constant 0 : index
    %get3A_191 = vector.load %arg16[%get3A_189, %get3A_190] : memref<128x128xf32, #tpu.memory_space<vmem>>, vector<128x128xf32>
    %dot_general3A_192 = arith.constant dense<0.000000e+00> : vector<400x128xf32>
    %dot_general3A_193 = tpu.matmul %dot_general3A_158, %get3A_191, %dot_general3A_192 {dimension_numbers = #tpu.dot_dimension_numbers<[1], [0], [0], [1], [0, 0, 1, 1], [], []>, transpose_lhs_hint = false} : vector<400x128xf32>, vector<128x128xf32>, vector<400x128xf32> -> vector<400x128xf32>
    %get3A_194 = arith.constant 0 : index
    %get3A_195 = arith.constant 0 : index
    %get3A_196 = vector.load %arg17[%get3A_194, %get3A_195] : memref<1x128xf32, #tpu.memory_space<vmem>>, vector<1x128xf32>
    %add3A_197 = vector.broadcast %get3A_196 : vector<1x128xf32> to vector<400x128xf32>
    %add3A_198 = arith.addf %dot_general3A_193, %add3A_197 : vector<400x128xf32>
    %mul3A_199 = arith.mulf %dot_general3A_188, %add3A_198 : vector<400x128xf32>
    %reduce_sum3A = arith.constant dense<0.000000e+00> : vector<400xf32>
    %reduce_sum3A_200 = vector.multi_reduction <add>, %mul3A_199, %reduce_sum3A [1] : vector<400x128xf32> to vector<400xf32>
    %broadcast_in_dim3A_201 = vector.shape_cast %reduce_sum3A_200 : vector<400xf32> to vector<400x1xf32>
    %neg3A = arith.constant 0.000000e+00 : f32
    %neg3A_202 = vector.broadcast %neg3A : f32 to vector<400x1xf32>
    %neg3A_203 = arith.subf %neg3A_202, %broadcast_in_dim3A_201 : vector<400x1xf32>
    %exp3A_204 = math.exp %neg3A_203 : vector<400x1xf32>
    %add3A_205 = arith.constant 1.000000e+00 : f32
    %add3A_206 = vector.broadcast %add3A_205 : f32 to vector<400x1xf32>
    %add3A_207 = arith.addf %add3A_206, %exp3A_204 : vector<400x1xf32>
    %div3A_208 = arith.constant 1.000000e+00 : f32
    %div3A_209 = vector.broadcast %div3A_208 : f32 to vector<400x1xf32>
    %div3A_210 = arith.divf %div3A_209, %add3A_207 : vector<400x1xf32>
    %mul3A_211 = vector.broadcast %div3A_210 : vector<400x1xf32> to vector<400x128xf32>
    %mul3A_212 = arith.mulf %mul3A_211, %dot_general3A_158 : vector<400x128xf32>
    %add3A_213 = arith.addf %broadcast_in_dim3A_183, %mul3A_212 : vector<400x128xf32>
    %get3A_214 = arith.constant 0 : index
    %get3A_215 = arith.constant 0 : index
    %get3A_216 = vector.load %arg12[%get3A_214, %get3A_215] : memref<128x128xf32, #tpu.memory_space<vmem>>, vector<128x128xf32>
    %dot_general3A_217 = arith.constant dense<0.000000e+00> : vector<400x128xf32>
    %dot_general3A_218 = tpu.matmul %add3A_181, %get3A_216, %dot_general3A_217 {dimension_numbers = #tpu.dot_dimension_numbers<[1], [0], [0], [1], [0, 0, 1, 1], [], []>, transpose_lhs_hint = false} : vector<400x128xf32>, vector<128x128xf32>, vector<400x128xf32> -> vector<400x128xf32>
    %get3A_219 = arith.constant 0 : index
    %get3A_220 = arith.constant 0 : index
    %get3A_221 = vector.load %arg16[%get3A_219, %get3A_220] : memref<128x128xf32, #tpu.memory_space<vmem>>, vector<128x128xf32>
    %dot_general3A_222 = arith.constant dense<0.000000e+00> : vector<400x128xf32>
    %dot_general3A_223 = tpu.matmul %dot_general3A_163, %get3A_221, %dot_general3A_222 {dimension_numbers = #tpu.dot_dimension_numbers<[1], [0], [0], [1], [0, 0, 1, 1], [], []>, transpose_lhs_hint = false} : vector<400x128xf32>, vector<128x128xf32>, vector<400x128xf32> -> vector<400x128xf32>
    %get3A_224 = arith.constant 0 : index
    %get3A_225 = arith.constant 0 : index
    %get3A_226 = vector.load %arg17[%get3A_224, %get3A_225] : memref<1x128xf32, #tpu.memory_space<vmem>>, vector<1x128xf32>
    %add3A_227 = vector.broadcast %get3A_226 : vector<1x128xf32> to vector<400x128xf32>
    %add3A_228 = arith.addf %dot_general3A_223, %add3A_227 : vector<400x128xf32>
    %mul3A_229 = arith.mulf %dot_general3A_218, %add3A_228 : vector<400x128xf32>
    %reduce_sum3A_230 = arith.constant dense<0.000000e+00> : vector<400xf32>
    %reduce_sum3A_231 = vector.multi_reduction <add>, %mul3A_229, %reduce_sum3A_230 [1] : vector<400x128xf32> to vector<400xf32>
    %broadcast_in_dim3A_232 = vector.shape_cast %reduce_sum3A_231 : vector<400xf32> to vector<400x1xf32>
    %neg3A_233 = arith.constant 0.000000e+00 : f32
    %neg3A_234 = vector.broadcast %neg3A_233 : f32 to vector<400x1xf32>
    %neg3A_235 = arith.subf %neg3A_234, %broadcast_in_dim3A_232 : vector<400x1xf32>
    %exp3A_236 = math.exp %neg3A_235 : vector<400x1xf32>
    %add3A_237 = arith.constant 1.000000e+00 : f32
    %add3A_238 = vector.broadcast %add3A_237 : f32 to vector<400x1xf32>
    %add3A_239 = arith.addf %add3A_238, %exp3A_236 : vector<400x1xf32>
    %div3A_240 = arith.constant 1.000000e+00 : f32
    %div3A_241 = vector.broadcast %div3A_240 : f32 to vector<400x1xf32>
    %div3A_242 = arith.divf %div3A_241, %add3A_239 : vector<400x1xf32>
    %mul3A_243 = vector.broadcast %div3A_242 : vector<400x1xf32> to vector<400x128xf32>
    %mul3A_244 = arith.mulf %mul3A_243, %dot_general3A_163 : vector<400x128xf32>
    %add3A_245 = arith.addf %add3A_213, %mul3A_244 : vector<400x128xf32>
    %get3A_246 = arith.constant 0 : index
    %get3A_247 = arith.constant 0 : index
    %get3A_248 = vector.load %arg13[%get3A_246, %get3A_247] : memref<128x128xf32, #tpu.memory_space<vmem>>, vector<128x128xf32>
    %dot_general3A_249 = arith.constant dense<0.000000e+00> : vector<400x128xf32>
    %dot_general3A_250 = tpu.matmul %add3A_181, %get3A_248, %dot_general3A_249 {dimension_numbers = #tpu.dot_dimension_numbers<[1], [0], [0], [1], [0, 0, 1, 1], [], []>, transpose_lhs_hint = false} : vector<400x128xf32>, vector<128x128xf32>, vector<400x128xf32> -> vector<400x128xf32>
    %get3A_251 = arith.constant 0 : index
    %get3A_252 = arith.constant 0 : index
    %get3A_253 = vector.load %arg16[%get3A_251, %get3A_252] : memref<128x128xf32, #tpu.memory_space<vmem>>, vector<128x128xf32>
    %dot_general3A_254 = arith.constant dense<0.000000e+00> : vector<400x128xf32>
    %dot_general3A_255 = tpu.matmul %dot_general3A_168, %get3A_253, %dot_general3A_254 {dimension_numbers = #tpu.dot_dimension_numbers<[1], [0], [0], [1], [0, 0, 1, 1], [], []>, transpose_lhs_hint = false} : vector<400x128xf32>, vector<128x128xf32>, vector<400x128xf32> -> vector<400x128xf32>
    %get3A_256 = arith.constant 0 : index
    %get3A_257 = arith.constant 0 : index
    %get3A_258 = vector.load %arg17[%get3A_256, %get3A_257] : memref<1x128xf32, #tpu.memory_space<vmem>>, vector<1x128xf32>
    %add3A_259 = vector.broadcast %get3A_258 : vector<1x128xf32> to vector<400x128xf32>
    %add3A_260 = arith.addf %dot_general3A_255, %add3A_259 : vector<400x128xf32>
    %mul3A_261 = arith.mulf %dot_general3A_250, %add3A_260 : vector<400x128xf32>
    %reduce_sum3A_262 = arith.constant dense<0.000000e+00> : vector<400xf32>
    %reduce_sum3A_263 = vector.multi_reduction <add>, %mul3A_261, %reduce_sum3A_262 [1] : vector<400x128xf32> to vector<400xf32>
    %broadcast_in_dim3A_264 = vector.shape_cast %reduce_sum3A_263 : vector<400xf32> to vector<400x1xf32>
    %neg3A_265 = arith.constant 0.000000e+00 : f32
    %neg3A_266 = vector.broadcast %neg3A_265 : f32 to vector<400x1xf32>
    %neg3A_267 = arith.subf %neg3A_266, %broadcast_in_dim3A_264 : vector<400x1xf32>
    %exp3A_268 = math.exp %neg3A_267 : vector<400x1xf32>
    %add3A_269 = arith.constant 1.000000e+00 : f32
    %add3A_270 = vector.broadcast %add3A_269 : f32 to vector<400x1xf32>
    %add3A_271 = arith.addf %add3A_270, %exp3A_268 : vector<400x1xf32>
    %div3A_272 = arith.constant 1.000000e+00 : f32
    %div3A_273 = vector.broadcast %div3A_272 : f32 to vector<400x1xf32>
    %div3A_274 = arith.divf %div3A_273, %add3A_271 : vector<400x1xf32>
    %mul3A_275 = vector.broadcast %div3A_274 : vector<400x1xf32> to vector<400x128xf32>
    %mul3A_276 = arith.mulf %mul3A_275, %dot_general3A_168 : vector<400x128xf32>
    %add3A_277 = arith.addf %add3A_245, %mul3A_276 : vector<400x128xf32>
    %swap3A = arith.constant 0 : index
    %swap3A_278 = arith.constant 0 : index
    %swap3A_279 = vector.load %arg18[%swap3A, %swap3A_278] : memref<400x128xf32, #tpu.memory_space<vmem>>, vector<400x128xf32>
    tpu.vector_store %arg18[%swap3A, %swap3A_278], %add3A_277 {strides = array<i32>} : memref<400x128xf32, #tpu.memory_space<vmem>>, vector<400x128xf32>,
    return
  }
  func.func @transform_0(%arg0: i32) -> (i32, i32) {
    %c0_i32 = arith.constant 0 : i32
    %c0_i32_0 = arith.constant 0 : i32
    return %arg0, %c0_i32 : i32, i32
  }
  func.func @transform_1(%arg0: i32) -> (i32, i32) {
    %c0_i32 = arith.constant 0 : i32
    %c0_i32_0 = arith.constant 0 : i32
    return %arg0, %c0_i32 : i32, i32
  }
  func.func @transform_2(%arg0: i32) -> (i32, i32) {
    %c0_i32 = arith.constant 0 : i32
    %c0_i32_0 = arith.constant 0 : i32
    return %arg0, %c0_i32 : i32, i32
  }
  func.func @transform_3(%arg0: i32) -> (i32, i32) {
    %c0_i32 = arith.constant 0 : i32
    %c0_i32_0 = arith.constant 0 : i32
    return %arg0, %c0_i32 : i32, i32
  }
  func.func @transform_4(%arg0: i32) -> (i32, i32) {
    %c0_i32 = arith.constant 0 : i32
    %c0_i32_0 = arith.constant 0 : i32
    return %arg0, %c0_i32 : i32, i32
  }
  func.func @transform_5(%arg0: i32) -> (i32, i32) {
    %c0_i32 = arith.constant 0 : i32
    %c0_i32_0 = arith.constant 0 : i32
    return %arg0, %c0_i32 : i32, i32
  }
  func.func @transform_6(%arg0: i32) -> (i32, i32) {
    %c0_i32 = arith.constant 0 : i32
    %c0_i32_0 = arith.constant 0 : i32
    return %arg0, %c0_i32 : i32, i32
  }
  func.func @transform_7(%arg0: i32) -> (i32, i32) {
    %c0_i32 = arith.constant 0 : i32
    %c0_i32_0 = arith.constant 0 : i32
    %c0_i32_1 = arith.constant 0 : i32
    return %c0_i32, %c0_i32_0 : i32, i32
  }
  func.func @transform_8(%arg0: i32) -> (i32, i32) {
    %c0_i32 = arith.constant 0 : i32
    %c0_i32_0 = arith.constant 0 : i32
    %c0_i32_1 = arith.constant 0 : i32
    return %c0_i32, %c0_i32_0 : i32, i32
  }
  func.func @transform_9(%arg0: i32) -> (i32, i32) {
    %c0_i32 = arith.constant 0 : i32
    %c0_i32_0 = arith.constant 0 : i32
    %c0_i32_1 = arith.constant 0 : i32
    return %c0_i32, %c0_i32_0 : i32, i32
  }
  func.func @transform_10(%arg0: i32) -> (i32, i32) {
    %c0_i32 = arith.constant 0 : i32
    %c0_i32_0 = arith.constant 0 : i32
    %c0_i32_1 = arith.constant 0 : i32
    return %c0_i32, %c0_i32_0 : i32, i32
  }
  func.func @transform_11(%arg0: i32) -> (i32, i32) {
    %c0_i32 = arith.constant 0 : i32
    %c0_i32_0 = arith.constant 0 : i32
    %c0_i32_1 = arith.constant 0 : i32
    return %c0_i32, %c0_i32_0 : i32, i32
  }
  func.func @transform_12(%arg0: i32) -> (i32, i32) {
    %c0_i32 = arith.constant 0 : i32
    %c0_i32_0 = arith.constant 0 : i32
    %c0_i32_1 = arith.constant 0 : i32
    return %c0_i32, %c0_i32_0 : i32, i32
  }
  func.func @transform_13(%arg0: i32) -> (i32, i32) {
    %c0_i32 = arith.constant 0 : i32
    %c0_i32_0 = arith.constant 0 : i32
    %c0_i32_1 = arith.constant 0 : i32
    return %c0_i32, %c0_i32_0 : i32, i32
  }
  func.func @transform_14(%arg0: i32) -> (i32, i32) {
    %c0_i32 = arith.constant 0 : i32
    %c0_i32_0 = arith.constant 0 : i32
    %c0_i32_1 = arith.constant 0 : i32
    return %c0_i32, %c0_i32_0 : i32, i32
  }
  func.func @transform_15(%arg0: i32) -> (i32, i32) {
    %c0_i32 = arith.constant 0 : i32
    %c0_i32_0 = arith.constant 0 : i32
    %c0_i32_1 = arith.constant 0 : i32
    return %c0_i32, %c0_i32_0 : i32, i32
  }
  func.func @transform_16(%arg0: i32) -> (i32, i32) {
    %c0_i32 = arith.constant 0 : i32
    %c0_i32_0 = arith.constant 0 : i32
    %c0_i32_1 = arith.constant 0 : i32
    return %c0_i32, %c0_i32_0 : i32, i32
  }
  func.func @transform_17(%arg0: i32) -> (i32, i32) {
    %c0_i32 = arith.constant 0 : i32
    %c0_i32_0 = arith.constant 0 : i32
    return %arg0, %c0_i32 : i32, i32
  }
}

</mosaic_0001>

<sc_bundles>
// kernel: kernel.6.cloned.1.call-start
scs
__scs_entry_jumppad:
0x0: {  	(pc) =	sbr.rel $0x88, $3  }
0x1: {  	(tag) =	ssettag $0x0;
	lr =	simm.s32 $0x1  }
0x2: {  	[smem:$0x3F8E] =	sst lr;
	_ =	strace $0xD0000000  }
0x3: {  	_ = 	snop  }
0x4: {  	_ = 	snop  }
0x5: {  	_ = 	snop  }
0x6: {  	_ = 	snop  }
0x7: {  	_ = 	snop  }
__scs_overlays_trampoline_lowered:
0x8: {  	[smem:$0x3F9D] =	sst s0  }
0x9: {  	[smem:$0x3F9E] =	sst s1  }
0xa: {  	[smem:$0x3F9F] =	sst s2  }
0xb: {  	[smem:$0x3FA0] =	sst s3  }
0xc: {  	[smem:$0x3FA1] =	sst s4  }
0xd: {  	[smem:$0x3FA2] =	sst s5  }
0xe: {  	[smem:$0x3FA3] =	sst s6  }
0xf: {  	[smem:$0x3FA4] =	sst s7  }
0x10: {  	[smem:$0x3FA5] =	sst s8  }
0x11: {  	[smem:$0x3FA6] =	sst s9;
	s0 =	simm.s32 @!p0 $0x0  }
0x12: {  	s1 =	sld [smem:$0x3F8C];
	s0 =	simm.s32 @p0 $0x1  }
0x13: {  	[smem:$0x3FA7] =	sst s0;
	s0 =	simm.s32 @!p1 $0x0  }
0x14: {  	s2 =	sld [smem:$0x3F8B];
	s0 =	simm.s32 @p1 $0x1  }
0x15: {  	[smem:$0x3FA8] =	sst s0;
	s0 =	simm.s32 @!p2 $0x0  }
0x16: {  	s3 =	sld [smem:$0x3FDB];
	s0 =	simm.s32 @p2 $0x1  }
0x17: {  	s4 =	simm.s32 $0x1BF5;
	[smem:$0x3FAA] =	sst s0  }
0x18: {  	s0 =	sld [smem:$0x3F8D];
	_ =	swait.ge [sflag:s4], $0x0  }
0x19: {  	s7 =	sld [smem:$0x3F8E]  }
0x1a: {  	s8 =	sadd.s32 $0xFFFFE003, lr  }
0x1b: {  	s9 =	sadd.s32 $0xFFFFFEF7, lr;
	s5 =	simm.s32 $0xFFFFFFFF;
	p2 =	slt.u32 s8, $0xFFFFF086  }
0x1c: {  	p1 =	slt.u32 s9, $0xF7A;
	s5 =	simm.s32 @!p2 $0x0  }
0x1d: {  	s5 =	simm.s32 @p1 $0x1;
	p0 =	seq.s32 s7, s2  }
0x1e: {  	s7 =	smul.u32 @!p0 $0xF7A, s2;
	p2 =	seq.s32 @!p0 s5, $0x0  }
0x1f: {  	s9 =	smul.u32 $0xF7A, s1;
	s8 =	simm.s32 @!p0 $0x1BF5;
	p2 =	por !p2, p0  }
0x20: {  	[sflag:s8] =	ssyncset.s32 @!p0 $0xFFFFF086;
	s6 =	sadd.s32 @!p0 s3, s7;
	s7 =	simm.s32 @!p0 $0x108  }
0x21: {  	s3 =	sadd.s32 s3, s9;
	s6 =	sadd.s32 @!p0 $0x88, s6;
	s7 =	simm.s32 @p2 $0x1082  }
0x22: {  	[simem:s7], [sflag:s8] =	dma.local @!p0 [hbm:s6], $0xF7A  }
0x23: {  	s9 =	sor.u32 $0xD0000000, s2;
	s6 =	simm.s32 $0x108;
	_ =	swait.ge @!p0 [sflag:s8], $0x0  }
0x24: {  	s3 =	sadd.s32 $0x88, s3;
	s6 =	simm.s32 @!p1 $0x1082;
	[sflag:s4] =	ssyncset.s32 $0xFFFFF086  }
0x25: {  	[simem:s6], [sflag:s4] =	dma.local [hbm:s3], $0xF7A  }
0x26: {  	[smem:$0x3F8E] =	sst s1;
	(tag) =	ssettag s2;
	_ =	strace s9  }
0x27: {  	s1 =	sld [smem:$0x3F9E]  }
0x28: {  	s2 =	sld [smem:$0x3F9F]  }
0x29: {  	s4 =	sld [smem:$0x3FA1]  }
0x2a: {  	p0 =	seq.s32 s5, $0x0;
	s5 =	sld [smem:$0x3FA2]  }
0x2b: {  	s6 =	sld [smem:$0x3FA3]  }
0x2c: {  	s7 =	sld [smem:$0x3FA4]  }
0x2d: {  	s3 =	simm.s32 $0x108;
	s8 =	sld [smem:$0x3FA5]  }
0x2e: {  	s3 =	simm.s32 @!p0 $0x1082;
	s9 =	sld [smem:$0x3FA6]  }
0x2f: {  	lr =	sadd.s32 s0, s3;
	s0 =	sld [smem:$0x3F9D]  }
0x30: {  	s3 =	sld [smem:$0x3FA0]  }
0x31: {  	[smem:$0x3FA9] =	sst s10  }
0x32: {  	s10 =	sld [smem:$0x3FA7];
	_ =	sdelay $0x3  }
0x33: {  	p0 =	seq.s32 s10, $0x1;
	s10 =	sld [smem:$0x3FA9];
	_ =	sdelay $0x3  }
0x34: {  	[smem:$0x3FA9] =	sst s10  }
0x35: {  	s10 =	sld [smem:$0x3FA8];
	_ =	sdelay $0x3  }
0x36: {  	p1 =	seq.s32 s10, $0x1;
	s10 =	sld [smem:$0x3FA9];
	_ =	sdelay $0x3  }
0x37: {  	[smem:$0x3FA9] =	sst s10  }
0x38: {  	s10 =	sld [smem:$0x3FAA]  }
0x39: {  	_ = 	snop;
	(pc) =	sbr.ind lr, $3  }
0x3a: {  	_ = 	snop  }
0x3b: {  	_ = 	snop  }
0x3c: {  	p2 =	seq.s32 s10, $0x1;
	s10 =	sld [smem:$0x3FA9]  }
0x3d: {  	_ =	shalt  }
0x3e: {  	_ =	shalt  }
0x3f: {  	_ =	shalt  }
0x40: {  	_ =	shalt  }
0x41: {  	_ =	shalt  }
0x42: {  	_ =	shalt  }
0x43: {  	_ =	shalt  }
0x44: {  	_ =	shalt  }
0x45: {  	_ =	shalt  }
0x46: {  	_ =	shalt  }
0x47: {  	_ =	shalt  }
0x48: {  	_ =	shalt  }
0x49: {  	_ =	shalt  }
0x4a: {  	_ =	shalt  }
0x4b: {  	_ =	shalt  }
0x4c: {  	_ =	shalt  }
0x4d: {  	_ =	shalt  }
0x4e: {  	_ =	shalt  }
0x4f: {  	_ =	shalt  }
0x50: {  	_ =	shalt  }
0x51: {  	_ =	shalt  }
0x52: {  	_ =	shalt  }
0x53: {  	_ =	shalt  }
0x54: {  	_ =	shalt  }
0x55: {  	_ =	shalt  }
0x56: {  	_ =	shalt  }
0x57: {  	_ =	shalt  }
0x58: {  	_ =	shalt  }
0x59: {  	_ =	shalt  }
0x5a: {  	_ =	shalt  }
0x5b: {  	_ =	shalt  }
0x5c: {  	_ =	shalt  }
0x5d: {  	_ =	shalt  }
0x5e: {  	_ =	shalt  }
0x5f: {  	_ =	shalt  }
0x60: {  	_ =	shalt  }
0x61: {  	_ =	shalt  }
0x62: {  	_ =	shalt  }
0x63: {  	_ =	shalt  }
0x64: {  	_ =	shalt  }
0x65: {  	_ =	shalt  }
0x66: {  	_ =	shalt  }
0x67: {  	_ =	shalt  }
0x68: {  	_ =	shalt  }
0x69: {  	_ =	shalt  }
0x6a: {  	_ =	shalt  }
0x6b: {  	_ =	shalt  }
0x6c: {  	_ =	shalt  }
0x6d: {  	_ =	shalt  }
0x6e: {  	_ =	shalt  }
0x6f: {  	_ =	shalt  }
0x70: {  	_ =	shalt  }
0x71: {  	_ =	shalt  }
0x72: {  	_ =	shalt  }
0x73: {  	_ =	shalt  }
0x74: {  	_ =	shalt  }
0x75: {  	_ =	shalt  }
0x76: {  	_ =	shalt  }
0x77: {  	_ =	shalt  }
0x78: {  	_ =	shalt  }
0x79: {  	_ =	shalt  }
0x7a: {  	_ =	shalt  }
0x7b: {  	_ =	shalt  }
0x7c: {  	_ =	shalt  }
0x7d: {  	_ =	shalt  }
0x7e: {  	_ =	shalt  }
0x7f: {  	_ =	shalt  }
0x80: {  	_ =	shalt  }
0x81: {  	_ =	shalt  }
0x82: {  	_ =	shalt  }
0x83: {  	_ =	shalt  }
0x84: {  	_ =	shalt  }
0x85: {  	_ =	shalt  }
0x86: {  	_ =	shalt  }
0x87: {  	_ =	shalt  }
.Lfunc_end0:
.L_simem_size_0:
called_computation_lowered:
.L_overlay_start_0:
0x88: {  	s2 =	sld [smem:$0x3FD9]  }
0x89: {  	s3 =	sld [smem:$0x3FFE];
	_ =	sdelay $0x1  }
0x8a: {  	s1 =	srdreg.scid  }
0x8b: {  	s0 =	sand.u32 $0x1, s1  }
0x8c: {  	s17 =	sshll.u32 s0, $0xA;
	s2 =	sadd.s32 s3, s2  }
0x8d: {  	s2 =	sadd.s32 s2, s17  }
0x8e: {  	[smem:$0x3FB5] =	sst s2  }
0x8f: {  	_ = 	snop  }
0x90: {  	s2 =	sld [smem:$0x3FD0];
	(tm) =	ssettm $0x1  }
0x91: {  	s18 =	sld [smem:$0x3FFB];
	_ =	sdelay $0x3  }
0x92: {  	_ =	strace s18  }
0x93: {  	s3 =	sld [smem:$0x3FFC];
	_ =	sdelay $0x3  }
0x94: {  	_ =	strace s3  }
0x95: {  	s3 =	sld [smem:$0x3FFD];
	_ =	sdelay $0x3  }
0x96: {  	_ =	strace s3  }
0x97: {  	_ =	strace $0x8FFFFFFF  }
0x98: {  	s19 =	sld [smem:$0x3FDB];
	_ =	sdelay $0x1  }
0x99: {  	s4 =	simm.s32 $_scs_section_size  }
0x9a: {  	s5 =	simm.s32 $_size__tile_overlayer_lowered;
	s6 =	simm.s32 $_tile_overlayer_lowered  }
0x9b: {  	s22 =	simm.s32 $0x1BFF;
	s21 =	sshll.u32 s6, $0x1;
	s3 =	sadd.s32 s4, s19  }
0x9c: {  	s7 =	simm.s32 $0x0;
	s20 =	sshll.u32 s5, $0x1;
	s5 =	sadd.s32 s21, s3  }
0x9d: {  	[timem:s7], [sflag:s22] =	dma.local [hbm:s5], s20  }
0x9e: {  	_ =	swait.ge [sflag:s22], s20  }
0x9f: {  	s4 =	ssub.s32 $0x0, s20;
	[sflag:s22] =	ssyncset.done $0x0  }
0xa0: {  	[sflag:s22] =	ssyncadd.s32 s4;
	_ =	sdelay $0x1  }
0xa1: {  	s23 =	simm.s32 $0x1B8B  }
0xa2: {  	_ =	swait.ge [sflag:s23], $0x1  }
0xa3: {  	[sflag:s23] =	ssyncset.done $0x0  }
0xa4: {  	s25 =	simm.s32 $0x1B8E;
	s24 =	sld [smem:$0x3FFE];
	[sflag:s23] =	ssyncadd.s32 $0xFFFFFFFF  }
0xa5: {  	s26 =	simm.s32 $execute0_lowered;
	[smem:$0x3FD2] =	sst s25  }
0xa6: {  	s5 =	sshll.u32 s26, $0x1;
	_ =	strace $0x80000046;
	[dreg:$0x1] =	wrdreg $0xFFFFFFFF  }
0xa7: {  	s28 =	simm.s32 $_size_execute0_lowered;
	s3 =	sadd.s32 s3, s5;
	[dreg:$0x0] =	wrdreg $0x0  }
0xa8: {  	s5 =	sshll.u32 s28, $0x1;
	[dreg:$0x2] =	wrdreg s3  }
0xa9: {  	[dreg:$0x3] =	wrdreg s5  }
0xaa: {  	[dreg:$0x4] =	wrdreg $0xC0  }
0xab: {  	_ =	task [dreg:s7], $0x5FFFF  }
0xac: {  	[dreg:$0x1] =	wrdreg $0xFFFFFFFF  }
0xad: {  	[dreg:$0x0] =	wrdreg $0x60  }
0xae: {  	[dreg:$0x2] =	wrdreg s2  }
0xaf: {  	[dreg:$0x3] =	wrdreg s24  }
0xb0: {  	[dreg:$0x4] =	wrdreg $0x143800  }
0xb1: {  	[dreg:$0x5] =	wrdreg $0x9  }
0xb2: {  	_ =	task.clear_ibuf [dreg:s7], $0x6FFFF;
	_ =	strace $0x90000046  }
0xb3: {  	s29 =	simm.s32 $0x9;
	_ =	strace $0x80000048  }
0xb4: {  	_ =	swait.ge [sflag:s29], $0x1  }
0xb5: {  	[sflag:s29] =	ssyncadd.s32 $0xFFFFFFFF  }
0xb6: {  	_ =	strace $0x90000048  }
0xb7: {  	_ =	sfence  }
0xb8: {  	s30 =	sld [smem:$0x0];
	_ =	sdelay $0x2  }
0xb9: {  	s31 =	sshll.u32 s1, $0xD;
	s1 =	sshrl.u32 s1, $0x2  }
0xba: {  	s3 =	sand.u32 $0x4000, s31;
	s1 =	sadd.s32 s1, s30  }
0xbb: {  	s0 =	sor.u32 s3, s0;
	s1 =	sshll.u32 s1, $0x11  }
0xbc: {  	s0 =	sor.u32 s1, s0  }
0xbd: {  	s0 =	sadd.s32 $0x8F2B, s0  }
0xbe: {  	[sflag:s0] =	ssyncadd.remote.s32 $0x1  }
0xbf: {  	_ =	sfence.sel $0xFFFF  }
0xc0: {  	[dreg:$0x0] =	wrdreg $0xFFFFFFFF;
	(pc) =	sbr.abs _section_cstart, $3  }
0xc1: {  	[dreg:$0x1] =	wrdreg $0xFFFFFFFF  }
0xc2: {  	_ =	task.clear_ibuf [dreg:s7], $0x2FFFF;
	_ =	strace $0x9FFFFFFF  }
0xc3: {  	(tm) =	ssettm $0x7FFFFFFF  }
tec
execute0_lowered:
.L_overlay_start_1:
0x0: {  	(tag) =	ssettag $0x1  }
0x1: {  	s1 =	rddreg [dreg:$0x0]  }
0x2: {  	s0 =	rddreg [dreg:$0x1]  }
0x3: {  	s2 =	rddreg [dreg:$0x2];
	s3 =	simm.s32 $0x0  }
0x4: {  	v0 =	vimm.s32 $0xFEDCBA98;
	s22 =	srdreg.scid;
	s5 =	stileid.u32;
	v1 =	vimm.s32 $0x76543210;
	s18 =	simm.s32 $0x3  }
0x5: {  	v2 =	vimm.s32 $0xBA98FEDC;
	v3 =	vimm.s32 $0x32107654;
	s19 =	simm.s32 $0x80;
	s20 =	simm.s32 $0x180;
	s21 =	simm.s32 $0x50  }
0x6: {  	v4 =	vimm.s32 $0xDCFE98BA;
	v5 =	vimm.s32 $0x54761032;
	s28 =	simm.s32 $0x2;
	s30 =	simm.s32 $0xA380;
	s31 =	simm.s32 $0x0  }
0x7: {  	v6 =	vimm.s32 $0xEFCDAB89;
	v7 =	vimm.s32 $0x67452301;
	[smem:$0x7FF] =	sst s3;
	s4 =	sadd.s32 $0x2E200, s0;
	s3 =	sand.u32 $0x1, s22  }
0x8: {  	vm0 =	vmmov $0x1;
	vm1 =	vcmask $0x320;
	vm2 =	vcmask $0x720;
	s6 =	sshll.u32 s5, $0x1;
	s23 =	sadd.s32 $0x7C400, s0;
	s7 =	sadd.s32 $0x19A00, s0  }
0x9: {  	vm3 =	vcmask $0xB20;
	vm4 =	vcmask $0xF20;
	vm5 =	vcmask $0x1320;
	s8 =	sadd.s32 $0xFC00, s0;
	s9 =	sadd.s32 $0x23800, s0;
	s24 =	sadd.s32 $0xCA600, s0  }
0xa: {  	v0 =	vunpack.c.l.s4.s8 v0;
	v1 =	vunpack.c.l.s4.s8 v1;
	v2 =	vunpack.c.l.s4.s8 v2;
	p0 =	sne.s32 s5, $0x0;
	s22 =	simm.s32 $0x200;
	_ =	strace $0x80000047  }
0xb: {  	v3 =	vunpack.c.l.s4.s8 v3;
	v4 =	vunpack.c.l.s4.s8 v4;
	v5 =	vunpack.c.l.s4.s8 v5;
	s10 =	sor.u32 s3, s6;
	[dreg:$0x4] =	wrdreg s23;
	s6 =	sadd.s32 $0x5E00, s0  }
0xc: {  	v6 =	vunpack.c.l.s4.s8 v6;
	v7 =	vunpack.c.l.s4.s8 v7;
	s12 =	smul.u32 $0x4E80, s3;
	[dreg:$0x5] =	wrdreg s24;
	s3 =	ssub.s32 $0x2, s3;
	v0 =	vunpack.c.0.s8.s32 v0  }
0xd: {  	s17 =	sshrl.u32 @!p0 s2, $0x3;
	s23 =	simm.s32 $0x2A00;
	s11 =	smul.u32 $0x28, s10;
	v2 =	vunpack.c.0.s8.s32 v2;
	v3 =	vunpack.c.0.s8.s32 v3;
	v4 =	vunpack.c.0.s8.s32 v4  }
0xe: {  	s24 =	simm.s32 $0x1;
	s14 =	smul.u32 $0x1400, s10;
	v5 =	vunpack.c.0.s8.s32 v5;
	v6 =	vunpack.c.0.s8.s32 v6;
	v7 =	vunpack.c.0.s8.s32 v7;
	s25 =	sshrl.u32 s3, $0x1  }
0xf: {  	vm6 =	vcmask $0x1720;
	v1 =	vunpack.c.0.s8.s32 v1;
	s15 =	sadd.s32 s12, s0;
	s3 =	ssub.s32 s3, s25;
	s12 =	smul.u32 $0x2710, s10;
	v2 =	vcombine.low v3, v2  }
0x10: {  	s13 =	sadd.s32 s11, s0;
	s11 =	sadd.s32 $0x101400, s0;
	v3 =	vcombine.low v5, v4;
	v4 =	vcombine.low v7, v6;
	v0 =	vand.u32 $0xF, v0;
	s29 =	sadd.s32 $0xCF600, s15  }
0x11: {  	vm8 =	vcmask $0x2320;
	s0 =	sadd.s32 s14, s0;
	s26 =	sadd.s32 $0x2D600, s13;
	[dreg:$0x8] =	wrdreg s29;
	v0 =	vcombine.low v0, v1;
	v1 =	vand.u32 $0xF, v2  }
0x12: {  	s25 =	simm.s32 $0x5200;
	s0 =	sadd.s32 $0xD9400, s0;
	[dreg:$0x6] =	wrdreg s26;
	v2 =	vand.u32 $0xF, v3;
	v3 =	vand.u32 $0xF, v4;
	v4 =	vimm.f32 $0.0e+00  }
0x13: {  	vm7 =	vcmask $0x1B20;
	s16 =	smax.u32 s3, $0x1;
	[dreg:$0x7] =	wrdreg s0;
	s26 =	simm.s32 $0xA200;
	v4 =	vsel vm8, $0x3F800000, v4;
	vm8 =	vmmov $0xff  }
.LBB2_1:
0x14: {  	s0 =	simm.s32 @!p0 $0x1C02;
	s3 =	rddreg [dreg:$0x5]  }
0x15: {  	[spmem:s17], [sflag:s0] =	dma.local @!p0 [hbm:s3], $0x4E20  }
0x16: {  	s0 =	simm.s32 @!p0 $0x2  }
0x17: {  	_ =	swait.ge @!p0 [sflag:s0], $0x4E20  }
0x18: {  	[sflag:s0] =	ssyncset.done @!p0 $0x0  }
0x19: {  	[sflag:s0] =	ssyncadd.s32 @!p0 $0xFFFFB1E0  }
0x1a: {  	s0 =	simm.s32 $0x0;
	[bflag:$0x0] =	sbarrier.arrive $0xFFFF  }
.LBB2_2:
0x1b: {  	s3 =	smul.u32 $0x50, s0;
	_ =	sdelay $0x1  }
0x1c: {  	s29 =	sadd.s32 s12, s3  }
0x1d: {  	s3 =	sshrl.u32 s29, $0x3  }
0x1e: {  	s10 =	simm.s32 $0x0;
	s5 =	sadd.s32 s6, s3  }
0x1f: {  	[tilespmem:s10], [sflag:$0x3] =	stream.linear.gather [hbm4b:s5+s10], $0x50, $0x38;
	[tilespmem:$0x16A90] =	vst v63  }
0x20: {  	_ =	swait.ge [sflag:s18], $0x50  }
0x21: {  	[sflag:s18] =	ssyncset.done $0x0  }
0x22: {  	s15 =	sadd.s32 s7, s3;
	[sflag:s18] =	ssyncadd.s32 $0xFFFFFFB0  }
0x23: {  	[tilespmem:s19], [sflag:$0x3] =	stream.linear.gather [hbm4b:s15+s10], $0x50, $0x38;
	[tilespmem:$0x16A90] =	vst v63  }
0x24: {  	_ =	swait.ge [sflag:s18], $0x50  }
0x25: {  	[sflag:s18] =	ssyncset.done $0x0  }
0x26: {  	s13 =	sadd.s32 s8, s3;
	s5 =	simm.s32 $0x100;
	[sflag:s18] =	ssyncadd.s32 $0xFFFFFFB0  }
0x27: {  	[tilespmem:s5], [sflag:$0x3] =	stream.linear.gather [hbm4b:s13+s10], $0x50, $0x38;
	[tilespmem:$0x16A90] =	vst v63  }
0x28: {  	_ =	swait.ge [sflag:s18], $0x50  }
0x29: {  	[sflag:s18] =	ssyncset.done $0x0  }
0x2a: {  	s3 =	sadd.s32 s9, s3;
	[sflag:s18] =	ssyncadd.s32 $0xFFFFFFB0  }
0x2b: {  	[tilespmem:s20], [sflag:$0x3] =	stream.linear.gather [hbm4b:s3+s10], $0x50, $0x38;
	[tilespmem:$0x16A90] =	vst v63  }
0x2c: {  	_ =	swait.ge [sflag:s18], $0x50  }
0x2d: {  	[sflag:s18] =	ssyncset.done $0x0  }
0x2e: {  	[sflag:s18] =	ssyncadd.s32 $0xFFFFFFB0  }
0x2f: {  	[tilespmem:s22], [sflag:$0x1] =	stream.indirect.gather [hbm4b:s1+s21], $0x80, s10, s21, $0xb8;
	[tilespmem:$0x16A90] =	vst v63  }
0x30: {  	_ = 	snop  }
0x31: {  	[tilespmem:s23], [sflag:$0x1] =	stream.indirect.gather [hbm4b:s4+s21], $0x80, s20, s21, $0xb8;
	[tilespmem:$0x16A90] =	vst v63  }
0x32: {  	_ =	swait.ge [sflag:s24], $0x2800  }
0x33: {  	[sflag:s24] =	ssyncset.done $0x0  }
0x34: {  	[sflag:s24] =	ssyncadd.s32 $0xFFFFD800  }
0x35: {  	_ =	swait.ge [sflag:s24], $0x2800  }
0x36: {  	[sflag:s24] =	ssyncset.done $0x0  }
0x37: {  	s10 =	simm.s32 $0x0;
	[sflag:s24] =	ssyncadd.s32 $0xFFFFD800  }
0x38: {  	v5 =	vld [tilespmem:s10+$0x270]  }
0x39: {  	v6 =	vld [tilespmem:s10+$0x2A70]  }
0x3a: {  	v7 =	vld [tilespmem:s10+$0x260]  }
0x3b: {  	v8 =	vld [tilespmem:s10+$0x2A60]  }
0x3c: {  	v9 =	vld [tilespmem:s10+$0x250]  }
0x3d: {  	v10 =	vld [tilespmem:s10+$0x2A50]  }
0x3e: {  	v11 =	vld [tilespmem:s10+$0x240]  }
0x3f: {  	v12 =	vld [tilespmem:s10+$0x2A40]  }
0x40: {  	v13 =	vld [tilespmem:s10+$0x230]  }
0x41: {  	v14 =	vld [tilespmem:s10+$0x2A30]  }
0x42: {  	v15 =	vld [tilespmem:s10+$0x220]  }
0x43: {  	v16 =	vld [tilespmem:s10+$0x2A20]  }
0x44: {  	v17 =	vld [tilespmem:s10+$0x210]  }
0x45: {  	v18 =	vld [tilespmem:s10+$0x2A10]  }
0x46: {  	v19 =	vld [tilespmem:s10+$0x200]  }
0x47: {  	v20 =	vld [tilespmem:s10+$0x2A00];
	_ =	sdelay $0x1  }
0x48: {  	v5 =	vmul.f32 v6, v5;
	v6 =	vmul.f32 v8, v7  }
0x49: {  	v7 =	vmul.f32 v12, v11;
	v8 =	vmul.f32 v10, v9  }
0x4a: {  	v9 =	vmul.f32 v16, v15;
	v10 =	vmul.f32 v14, v13  }
0x4b: {  	v11 =	vmul.f32 v18, v17;
	v12 =	vmul.f32 v20, v19  }
0x4c: {  	v13 =	vperm.xlane v5, v0;
	v14 =	vperm.xlane v6, v0  }
0x4d: {  	v15 =	vperm.xlane v7, v0;
	v16 =	vperm.xlane v8, v0  }
0x4e: {  	v17 =	vperm.xlane v10, v0;
	v28 =	vperm.xlane v9, v0  }
0x4f: {  	v6 =	vadd.f32 v14, v6;
	v5 =	vadd.f32 v13, v5;
	v13 =	vperm.xlane v12, v0  }
0x50: {  	v7 =	vadd.f32 v15, v7;
	v8 =	vadd.f32 v16, v8;
	v14 =	vperm.xlane v11, v0  }
0x51: {  	v9 =	vadd.f32 v28, v9;
	v12 =	vadd.f32 v13, v12;
	v13 =	vperm.xlane v6, v1  }
0x52: {  	v15 =	vperm.xlane v5, v1;
	v11 =	vadd.f32 v14, v11;
	v14 =	vperm.xlane v7, v1  }
0x53: {  	v10 =	vadd.f32 v17, v10;
	v16 =	vperm.xlane v8, v1;
	v17 =	vperm.xlane v12, v1  }
0x54: {  	v29 =	vperm.xlane v11, v1;
	v6 =	vadd.f32 v13, v6;
	v5 =	vadd.f32 v15, v5  }
0x55: {  	v13 =	vperm.xlane v9, v1;
	v8 =	vadd.f32 v16, v8;
	v12 =	vadd.f32 v17, v12  }
0x56: {  	s3 =	simm.s32 $0x80;
	v15 =	vperm.xlane v10, v1;
	v7 =	vadd.f32 v14, v7;
	v11 =	vadd.f32 v29, v11  }
0x57: {  	v21 =	vld [tilespmem:s3+$0x2A60];
	v16 =	vperm.xlane v5, v2;
	v9 =	vadd.f32 v13, v9;
	v17 =	vperm.xlane v12, v2  }
0x58: {  	v23 =	vld [tilespmem:s3+$0x250];
	v30 =	vperm.xlane v6, v2;
	v10 =	vadd.f32 v15, v10;
	v31 =	vperm.xlane v11, v2  }
0x59: {  	v34 =	vld [tilespmem:s3+$0x240];
	v32 =	vperm.xlane v8, v2;
	v12 =	vadd.f32 v17, v12;
	v17 =	vperm.xlane v9, v2  }
0x5a: {  	v36 =	vld [tilespmem:s3+$0x2A40];
	v22 =	vperm.xlane v7, v2;
	v33 =	vperm.xlane v10, v2;
	v11 =	vadd.f32 v31, v11  }
0x5b: {  	v37 =	vld [tilespmem:s3+$0x230];
	v5 =	vadd.f32 v16, v5;
	v24 =	vperm.xlane v12, v3;
	v9 =	vadd.f32 v17, v9  }
0x5c: {  	v39 =	vld [tilespmem:s3+$0x2A30];
	v6 =	vadd.f32 v30, v6;
	v10 =	vadd.f32 v33, v10;
	v17 =	vperm.xlane v11, v3  }
0x5d: {  	v40 =	vld [tilespmem:s3+$0x2A20];
	v7 =	vadd.f32 v22, v7;
	v12 =	vadd.f32 v24, v12;
	v35 =	vperm.xlane v9, v3  }
0x5e: {  	v14 =	vld [tilespmem:s3+$0x270];
	v8 =	vadd.f32 v32, v8;
	v11 =	vadd.f32 v17, v11;
	v17 =	vperm.xlane v10, v3  }
0x5f: {  	v13 =	vld [tilespmem:s3+$0x2A70];
	v38 =	vperm.xlane v7, v3;
	v12 =	vnsel vm0, $0x0, v12;
	v9 =	vadd.f32 v35, v9  }
0x60: {  	v15 =	vld [tilespmem:s3+$0x260];
	v10 =	vadd.f32 v17, v10;
	v11 =	vsel vm1, v12, v11;
	v12 =	vperm.xlane v8, v3  }
0x61: {  	v16 =	vld [tilespmem:s3+$0x2A50];
	v7 =	vadd.f32 v38, v7;
	v9 =	vsel vm2, v11, v9;
	v11 =	vperm.xlane v6, v3  }
0x62: {  	v9 =	vsel vm3, v9, v10;
	v8 =	vadd.f32 v12, v8;
	v10 =	vperm.xlane v5, v3;
	v12 =	vld [tilespmem:s3+$0x210]  }
0x63: {  	v7 =	vsel vm4, v9, v7;
	v6 =	vadd.f32 v11, v6;
	v9 =	vld [tilespmem:s3+$0x2A10];
	v11 =	vmul.f32 v36, v34  }
0x64: {  	v17 =	vld [tilespmem:s3+$0x220];
	v7 =	vsel vm5, v7, v8;
	v5 =	vadd.f32 v10, v5  }
0x65: {  	v8 =	vld [tilespmem:s3+$0x200];
	v10 =	vmul.f32 v21, v15;
	v6 =	vsel vm6, v7, v6;
	v15 =	vperm.xlane v11, v0  }
0x66: {  	v7 =	vld [tilespmem:s3+$0x2A00];
	v5 =	vsel vm7, v6, v5;
	v6 =	vmul.f32 v13, v14;
	v13 =	vmul.f32 v16, v23  }
0x67: {  	v14 =	vmul.f32 v39, v37;
	v5 =	vmul.f32 $1.442695020e+00, v5  }
0x68: {  	v9 =	vmul.f32 v9, v12;
	v12 =	vperm.xlane v10, v0  }
0x69: {  	v16 =	vperm.xlane v13, v0;
	(erf) = vpow2.f32 v5  }
0x6a: {  	v5 =	vmul.f32 v40, v17;
	v17 =	vperm.xlane v14, v0  }
0x6b: {  	v7 =	vmul.f32 v7, v8;
	v8 =	vperm.xlane v6, v0  }
0x6c: {  	v10 =	vadd.f32 v12, v10;
	v12 =	vadd.f32 v16, v13;
	v13 =	vperm.xlane v9, v0  }
0x6d: {  	v11 =	vadd.f32 v15, v11;
	v6 =	vadd.f32 v8, v6;
	v8 =	vperm.xlane v7, v0  }
0x6e: {  	v41 =	vperm.xlane v5, v0;
	v14 =	vadd.f32 v17, v14;
	v9 =	vadd.f32 v13, v9  }
0x6f: {  	v13 =	vperm.xlane v11, v1;
	v17 =	vperm.xlane v12, v1;
	v7 =	vadd.f32 v8, v7  }
0x70: {  	v15 =	vadd.f32 v41, v5;
	v8 =	vperm.xlane v10, v1;
	v16 =	vperm.xlane v6, v1  }
0x71: {  	v12 =	vadd.f32 v17, v12;
	v11 =	vadd.f32 v13, v11;
	v43 =	vperm.xlane v7, v1  }
0x72: {  	v45 =	vperm.xlane v9, v1;
	v8 =	vadd.f32 v8, v10;
	v6 =	vadd.f32 v16, v6  }
0x73: {  	s13 =	simm.s32 $0x100;
	v10 =	vperm.xlane v15, v1;
	v16 =	vperm.xlane v14, v1;
	v5 =	vpop (erf);
	v7 =	vadd.f32 v43, v7  }
0x74: {  	v42 =	vld [tilespmem:s13+$0x270];
	v9 =	vadd.f32 v45, v9;
	v50 =	vperm.xlane v12, v2;
	v5 =	vsel vm8, v5, v4  }
0x75: {  	v44 =	vld [tilespmem:s13+$0x2A70];
	v26 =	vperm.xlane v11, v2;
	v10 =	vadd.f32 v10, v15;
	[tilespmem:s10+$0x7A00] =	vst v5;
	v47 =	vperm.xlane v7, v2  }
0x76: {  	v46 =	vperm.xlane v6, v2;
	v49 =	vperm.xlane v9, v2;
	v14 =	vadd.f32 v16, v14;
	v17 =	vld [tilespmem:s5+$0x0]  }
0x77: {  	v48 =	vperm.xlane v8, v2;
	v51 =	vperm.xlane v10, v2;
	v13 =	vld [tilespmem:s13+$0x260];
	v7 =	vadd.f32 v47, v7  }
0x78: {  	v11 =	vadd.f32 v26, v11;
	v9 =	vadd.f32 v49, v9;
	v52 =	vperm.xlane v14, v2;
	v15 =	vld [tilespmem:s13+$0x2A60]  }
0x79: {  	v12 =	vadd.f32 v50, v12;
	v16 =	vld [tilespmem:s13+$0x250];
	v10 =	vadd.f32 v51, v10;
	v28 =	vperm.xlane v7, v3  }
0x7a: {  	v6 =	vadd.f32 v46, v6;
	v25 =	vld [tilespmem:s13+$0x2A50];
	v54 =	vperm.xlane v9, v3;
	v14 =	vadd.f32 v52, v14  }
0x7b: {  	v27 =	vld [tilespmem:s13+$0x240];
	v56 =	vperm.xlane v10, v3;
	v7 =	vadd.f32 v28, v7;
	(v2sf) =	vpush v17, $0x0  }
0x7c: {  	v8 =	vadd.f32 v48, v8;
	v53 =	vld [tilespmem:s13+$0x2A40];
	v9 =	vadd.f32 v54, v9;
	v58 =	vperm.xlane v14, v3  }
0x7d: {  	v60 =	vperm.xlane v11, v3;
	v55 =	vld [tilespmem:s13+$0x230];
	v10 =	vadd.f32 v56, v10;
	v7 =	vnsel vm0, $0x0, v7  }
0x7e: {  	v57 =	vld [tilespmem:s13+$0x2A30];
	v7 =	vsel vm1, v7, v9;
	v9 =	vadd.f32 v58, v14;
	v14 =	vperm.xlane v12, v3  }
0x7f: {  	v59 =	vld [tilespmem:s13+$0x220];
	v7 =	vsel vm2, v7, v10;
	v10 =	vadd.f32 v60, v11;
	v11 =	vperm.xlane v8, v3  }
0x80: {  	v61 =	vld [tilespmem:s13+$0x2A20];
	v29 =	vperm.xlane v6, v3;
	v9 =	vsel vm3, v7, v9;
	v14 =	vadd.f32 v14, v12  }
0x81: {  	v62 =	vld [tilespmem:s13+$0x210];
	v9 =	vsel vm4, v9, v10;
	v8 =	vadd.f32 v11, v8  }
0x82: {  	v63 =	vld [tilespmem:s13+$0x2A10];
	v6 =	vadd.f32 v29, v6;
	v9 =	vsel vm5, v9, v14  }
0x83: {  	v12 =	vmul.f32 v15, v13;
	v13 =	vld [tilespmem:s13+$0x200];
	v14 =	vsel vm6, v9, v8  }
0x84: {  	v15 =	vsel vm7, v14, v6;
	v14 =	vld [tilespmem:s13+$0x2A00]  }
0x85: {  	v7 =	vmul.f32 v44, v42  }
0x86: {  	v10 =	vmul.f32 v53, v27;
	v11 =	vmul.f32 v25, v16  }
0x87: {  	v9 =	vmul.f32 v61, v59;
	v8 =	vmul.f32 v57, v55  }
0x88: {  	s14 =	simm.s32 $0x600;
	v6 =	vmul.f32 v63, v62;
	v15 =	vmul.f32 $1.442695020e+00, v15  }
.LBB2_3:
0x89: {  	p1 =	sne.s32 s14, $0x9E00;
	v13 =	vmul.f32 v14, v13;
	v14 =	vperm.xlane v7, v0  }
0x8a: {  	v16 =	vperm.xlane v12, v0;
	(erf) = vpow2.f32 v15;
	s15 =	spop (v2sf)  }
0x8b: {  	v17 =	vperm.xlane v11, v0;
	v15 =	vperm.xlane v10, v0;
	p2 =	seq.s32 s15, $0x0;
	p3 =	seq.s32 s15, $0x10;
	p4 =	seq.s32 s15, $0x20  }
0x8c: {  	v18 =	vpsel !p2, $0x0, v5;
	v19 =	vpsel !p3, $0x0, v5;
	v20 =	vpsel !p4, $0x0, v5;
	p2 =	seq.s32 s15, $0x30;
	p3 =	seq.s32 s15, $0x40;
	p4 =	seq.s32 s15, $0x50  }
0x8d: {  	[tilespmem:s10+$0x5200] =	vst v18;
	v18 =	vpsel !p2, $0x0, v5;
	v21 =	vpsel !p3, $0x0, v5;
	v22 =	vpsel !p4, $0x0, v5;
	p2 =	seq.s32 s15, $0x60;
	p3 =	seq.s32 s15, $0x70  }
0x8e: {  	v23 =	vperm.xlane v8, v0;
	[tilespmem:s10+$0x5210] =	vst v19;
	v19 =	vpsel !p2, $0x0, v5;
	v24 =	vpsel !p3, $0x0, v5  }
0x8f: {  	v12 =	vadd.f32 v16, v12;
	v7 =	vadd.f32 v14, v7;
	v5 =	vperm.xlane v9, v0;
	[tilespmem:s10+$0x5220] =	vst v20  }
0x90: {  	v14 =	vperm.xlane v13, v0;
	v11 =	vadd.f32 v17, v11;
	v10 =	vadd.f32 v15, v10;
	[tilespmem:s10+$0x5230] =	vst v18  }
0x91: {  	v8 =	vadd.f32 v23, v8;
	v15 =	vperm.xlane v6, v0;
	v9 =	vadd.f32 v5, v9;
	[tilespmem:s10+$0x5240] =	vst v21  }
0x92: {  	v13 =	vadd.f32 v14, v13;
	v14 =	vperm.xlane v12, v1;
	v16 =	vperm.xlane v7, v1;
	[tilespmem:s10+$0x5250] =	vst v22  }
0x93: {  	s15 =	sshra.s32 s14, $0x2;
	v17 =	vperm.xlane v11, v1;
	v6 =	vadd.f32 v15, v6;
	v15 =	vperm.xlane v10, v1;
	v5 =	vpop (erf);
	[tilespmem:s10+$0x5260] =	vst v19  }
0x94: {  	v20 =	vperm.xlane v8, v1;
	v19 =	vperm.xlane v13, v1;
	v18 =	vld [tilespmem:s15+$0x270];
	v5 =	vsel vm8, v5, v4;
	[tilespmem:s10+$0x5270] =	vst v24;
	s10 =	smov.u32 s3;
	s3 =	smov.u32 s13;
	s13 =	smov.u32 s15  }
0x95: {  	s5 =	sadd.s32 $0x1, s5;
	v12 =	vadd.f32 v14, v12;
	v7 =	vadd.f32 v16, v7;
	v22 =	vperm.xlane v6, v1;
	v21 =	vld [tilespmem:s13+$0x2A70];
	[tilespmem:s10+$0x7A00] =	vst v5  }
0x96: {  	v11 =	vadd.f32 v17, v11;
	v14 =	vperm.xlane v9, v1;
	v13 =	vadd.f32 v19, v13;
	v16 =	vld [tilespmem:s5+$0x0]  }
0x97: {  	v10 =	vadd.f32 v15, v10;
	v15 =	vperm.xlane v7, v2;
	v6 =	vadd.f32 v22, v6;
	v17 =	vld [tilespmem:s13+$0x260]  }
0x98: {  	v9 =	vadd.f32 v14, v9;
	v14 =	vperm.xlane v12, v2;
	v22 =	vperm.xlane v13, v2;
	v19 =	vld [tilespmem:s13+$0x2A60]  }
0x99: {  	v8 =	vadd.f32 v20, v8;
	v20 =	vperm.xlane v11, v2;
	v24 =	vperm.xlane v6, v2;
	v23 =	vld [tilespmem:s13+$0x250]  }
0x9a: {  	v26 =	vperm.xlane v10, v2;
	v13 =	vadd.f32 v22, v13;
	v22 =	vperm.xlane v9, v2;
	v25 =	vld [tilespmem:s13+$0x2A50]  }
0x9b: {  	v6 =	vadd.f32 v24, v6;
	v24 =	vperm.xlane v8, v2;
	v27 =	vld [tilespmem:s13+$0x240];
	(v2sf) =	vpush v16, $0x0  }
0x9c: {  	v15 =	vadd.f32 v15, v7;
	v28 =	vperm.xlane v13, v3;
	v9 =	vadd.f32 v22, v9;
	v16 =	vld [tilespmem:s13+$0x2A40]  }
0x9d: {  	v12 =	vadd.f32 v14, v12;
	v7 =	vperm.xlane v6, v3;
	v8 =	vadd.f32 v24, v8;
	v22 =	vld [tilespmem:s13+$0x230]  }
0x9e: {  	v10 =	vadd.f32 v26, v10;
	v13 =	vadd.f32 v28, v13;
	v14 =	vperm.xlane v9, v3;
	v24 =	vld [tilespmem:s13+$0x2A30]  }
0x9f: {  	v11 =	vadd.f32 v20, v11;
	v6 =	vadd.f32 v7, v6;
	v7 =	vperm.xlane v8, v3;
	v26 =	vld [tilespmem:s13+$0x220]  }
0xa0: {  	v13 =	vnsel vm0, $0x0, v13;
	v9 =	vadd.f32 v14, v9;
	v14 =	vperm.xlane v10, v3;
	v20 =	vld [tilespmem:s13+$0x2A20]  }
0xa1: {  	v7 =	vadd.f32 v7, v8;
	v8 =	vperm.xlane v11, v3;
	v6 =	vsel vm1, v13, v6;
	v28 =	vld [tilespmem:s13+$0x210]  }
0xa2: {  	v6 =	vsel vm2, v6, v9;
	v9 =	vadd.f32 v14, v10;
	v10 =	vperm.xlane v12, v3;
	v29 =	vld [tilespmem:s13+$0x2A10]  }
0xa3: {  	v8 =	vadd.f32 v8, v11;
	v11 =	vperm.xlane v15, v3;
	v6 =	vsel vm3, v6, v7;
	v13 =	vld [tilespmem:s13+$0x200]  }
.Ltmp0:
0xa4: {  	v7 =	vmul.f32 v21, v18;
	v6 =	vsel vm4, v6, v9;
	v9 =	vadd.f32 v10, v12;
	v14 =	vld [tilespmem:s13+$0x2A00];
	(pc) =	sbr.rel @p1 .LBB2_3-.Ltmp0, $4  }
0xa5: {  	v15 =	vadd.f32 v11, v15;
	v12 =	vmul.f32 v19, v17;
	v6 =	vsel vm5, v6, v8  }
0xa6: {  	v11 =	vmul.f32 v25, v23;
	v10 =	vmul.f32 v16, v27;
	v6 =	vsel vm6, v6, v9  }
0xa7: {  	v8 =	vmul.f32 v24, v22;
	v9 =	vmul.f32 v20, v26;
	v15 =	vsel vm7, v6, v15  }
0xa8: {  	s14 =	sadd.s32 $0x200, s14;
	v6 =	vmul.f32 v29, v28;
	v15 =	vmul.f32 $1.442695020e+00, v15  }
0xa9: {  	v13 =	vmul.f32 v14, v13;
	v33 =	vperm.xlane v7, v0  }
0xaa: {  	v16 =	vperm.xlane v12, v0;
	(erf) = vpow2.f32 v15;
	s14 =	spop (v2sf)  }
0xab: {  	v34 =	vperm.xlane v10, v0;
	v17 =	vperm.xlane v11, v0;
	p1 =	seq.s32 s14, $0x0  }
0xac: {  	v23 =	vperm.xlane v8, v0;
	v24 =	vperm.xlane v9, v0;
	p2 =	seq.s32 s14, $0x10;
	v18 =	vpsel !p1, $0x0, v5  }
0xad: {  	v38 =	vperm.xlane v6, v0;
	p3 =	seq.s32 s14, $0x20;
	v12 =	vadd.f32 v16, v12;
	v19 =	vpsel !p2, $0x0, v5;
	[tilespmem:s10+$0x5200] =	vst v18  }
0xae: {  	p4 =	seq.s32 s14, $0x30;
	v7 =	vadd.f32 v33, v7;
	v37 =	vperm.xlane v13, v0;
	v20 =	vpsel !p3, $0x0, v5;
	[tilespmem:s10+$0x5210] =	vst v19  }
0xaf: {  	p5 =	seq.s32 s14, $0x40;
	v10 =	vadd.f32 v34, v10;
	v11 =	vadd.f32 v17, v11;
	v35 =	vpsel !p4, $0x0, v5;
	[tilespmem:s10+$0x5220] =	vst v20  }
0xb0: {  	p6 =	seq.s32 s14, $0x50;
	v9 =	vadd.f32 v24, v9;
	v8 =	vadd.f32 v23, v8;
	v21 =	vpsel !p5, $0x0, v5;
	p3 =	seq.s32 s14, $0x60;
	[tilespmem:s10+$0x5230] =	vst v35  }
0xb1: {  	v22 =	vpsel !p6, $0x0, v5;
	v6 =	vadd.f32 v38, v6;
	v36 =	vpsel !p3, $0x0, v5;
	[tilespmem:s10+$0x5240] =	vst v21  }
0xb2: {  	p4 =	seq.s32 s14, $0x70;
	v13 =	vadd.f32 v37, v13;
	v39 =	vperm.xlane v12, v1;
	v40 =	vperm.xlane v7, v1;
	[tilespmem:s10+$0x5250] =	vst v22  }
0xb3: {  	v5 =	vpsel !p4, $0x0, v5;
	v41 =	vperm.xlane v10, v1;
	v17 =	vperm.xlane v11, v1;
	[tilespmem:s10+$0x5260] =	vst v36;
	v42 =	vpop (erf)  }
0xb4: {  	v45 =	vperm.xlane v9, v1;
	[tilespmem:s10+$0x5270] =	vst v5;
	v43 =	vperm.xlane v13, v1;
	v18 =	vsel vm8, v42, v4  }
0xb5: {  	s5 =	sadd.s32 $0x1, s5;
	v5 =	vperm.xlane v6, v1;
	v12 =	vadd.f32 v39, v12;
	v7 =	vadd.f32 v40, v7;
	[tilespmem:s3+$0x7A00] =	vst v18  }
0xb6: {  	v44 =	vperm.xlane v8, v1;
	v11 =	vadd.f32 v17, v11;
	v13 =	vadd.f32 v43, v13;
	v46 =	vld [tilespmem:s5+$0x0]  }
0xb7: {  	v9 =	vadd.f32 v45, v9;
	v5 =	vadd.f32 v5, v6;
	v47 =	vperm.xlane v7, v2  }
0xb8: {  	v8 =	vadd.f32 v44, v8;
	v49 =	vperm.xlane v12, v2;
	v48 =	vperm.xlane v13, v2  }
0xb9: {  	v6 =	vadd.f32 v41, v10;
	v51 =	vperm.xlane v11, v2;
	v50 =	vperm.xlane v5, v2  }
0xba: {  	v52 =	vperm.xlane v9, v2;
	v54 =	vperm.xlane v8, v2;
	v13 =	vadd.f32 v48, v13  }
0xbb: {  	v53 =	vperm.xlane v6, v2;
	v5 =	vadd.f32 v50, v5;
	(v2sf) =	vpush v46, $0x0  }
0xbc: {  	v9 =	vadd.f32 v52, v9;
	v7 =	vadd.f32 v47, v7;
	v55 =	vperm.xlane v13, v3  }
0xbd: {  	v8 =	vadd.f32 v54, v8;
	v12 =	vadd.f32 v49, v12;
	v56 =	vperm.xlane v5, v3  }
0xbe: {  	v6 =	vadd.f32 v53, v6;
	v57 =	vperm.xlane v9, v3;
	v13 =	vadd.f32 v55, v13  }
0xbf: {  	v11 =	vadd.f32 v51, v11;
	v58 =	vperm.xlane v8, v3;
	v5 =	vadd.f32 v56, v5  }
0xc0: {  	v59 =	vperm.xlane v6, v3;
	v9 =	vadd.f32 v57, v9;
	v13 =	vnsel vm0, $0x0, v13  }
0xc1: {  	v60 =	vperm.xlane v11, v3;
	v8 =	vadd.f32 v58, v8;
	v5 =	vsel vm1, v13, v5  }
0xc2: {  	v61 =	vperm.xlane v12, v3;
	v6 =	vadd.f32 v59, v6;
	v5 =	vsel vm2, v5, v9  }
0xc3: {  	v63 =	vperm.xlane v7, v3;
	v62 =	vadd.f32 v60, v11;
	v5 =	vsel vm3, v5, v8  }
0xc4: {  	v5 =	vsel vm4, v5, v6;
	v6 =	vadd.f32 v61, v12  }
0xc5: {  	v7 =	vadd.f32 v63, v7;
	v5 =	vsel vm5, v5, v62  }
0xc6: {  	v5 =	vsel vm6, v5, v6  }
0xc7: {  	v5 =	vsel vm7, v5, v7  }
0xc8: {  	v5 =	vmul.f32 $1.442695020e+00, v5;
	_ =	sdelay $0x1  }
0xc9: {  	(erf) = vpow2.f32 v5;
	s15 =	spop (v2sf)  }
0xca: {  	p5 =	seq.s32 s15, $0x0  }
0xcb: {  	p6 =	seq.s32 s15, $0x10;
	v5 =	vpsel !p5, $0x0, v18  }
0xcc: {  	p3 =	seq.s32 s15, $0x20;
	v6 =	vpsel !p6, $0x0, v18;
	[tilespmem:s3+$0x5200] =	vst v5  }
0xcd: {  	p4 =	seq.s32 s15, $0x30;
	v5 =	vpsel !p3, $0x0, v18;
	[tilespmem:s3+$0x5210] =	vst v6  }
0xce: {  	p5 =	seq.s32 s15, $0x40;
	v6 =	vpsel !p4, $0x0, v18;
	[tilespmem:s3+$0x5220] =	vst v5  }
0xcf: {  	p6 =	seq.s32 s15, $0x50;
	v5 =	vpsel !p5, $0x0, v18;
	[tilespmem:s3+$0x5230] =	vst v6  }
0xd0: {  	p2 =	seq.s32 s15, $0x60;
	v6 =	vpsel !p6, $0x0, v18;
	[tilespmem:s3+$0x5240] =	vst v5  }
0xd1: {  	p3 =	seq.s32 s15, $0x70;
	v5 =	vpsel !p2, $0x0, v18;
	[tilespmem:s3+$0x5250] =	vst v6  }
0xd2: {  	v7 =	vpop (erf);
	v6 =	vpsel !p3, $0x0, v18;
	[tilespmem:s3+$0x5260] =	vst v5  }
0xd3: {  	v5 =	vsel vm8, v7, v4;
	[tilespmem:s3+$0x5270] =	vst v6  }
0xd4: {  	s14 =	sadd.s32 $0x1, s5;
	[tilespmem:s13+$0x7A00] =	vst v5  }
0xd5: {  	v6 =	vld [tilespmem:s14+$0x0];
	_ =	sdelay $0x4  }
0xd6: {  	(v2sf) =	vpush v6, $0x0;
	_ =	sdelay $0xe  }
0xd7: {  	s15 =	spop (v2sf)  }
0xd8: {  	p4 =	seq.s32 s15, $0x0  }
0xd9: {  	p5 =	seq.s32 s15, $0x10;
	v6 =	vpsel !p4, $0x0, v5  }
0xda: {  	p6 =	seq.s32 s15, $0x20;
	v7 =	vpsel !p5, $0x0, v5;
	[tilespmem:s13+$0x5200] =	vst v6  }
0xdb: {  	p2 =	seq.s32 s15, $0x30;
	v6 =	vpsel !p6, $0x0, v5;
	[tilespmem:s13+$0x5210] =	vst v7  }
0xdc: {  	p3 =	seq.s32 s15, $0x40;
	v7 =	vpsel !p2, $0x0, v5;
	[tilespmem:s13+$0x5220] =	vst v6  }
0xdd: {  	p4 =	seq.s32 s15, $0x50;
	v6 =	vpsel !p3, $0x0, v5;
	[tilespmem:s13+$0x5230] =	vst v7  }
0xde: {  	p5 =	seq.s32 s15, $0x60;
	v7 =	vpsel !p4, $0x0, v5;
	[tilespmem:s13+$0x5240] =	vst v6  }
0xdf: {  	p6 =	seq.s32 s15, $0x70;
	v6 =	vpsel !p5, $0x0, v5;
	[tilespmem:s13+$0x5250] =	vst v7  }
0xe0: {  	v5 =	vpsel !p6, $0x0, v5;
	[tilespmem:s13+$0x5260] =	vst v6  }
0xe1: {  	p1 =	sgt.u32 s29, $0x270F;
	[tilespmem:s13+$0x5270] =	vst v5  }
0xe2: {  	[spmem:s2] =	stream.indirect.scatter.add.f32 [tilespmem:s25], [sflag:$0x3], $0x80, s19, s21, $0xb8;
	[tilespmem:$0x16A90] =	vst v63  }
0xe3: {  	s0 =	sadd.s32 $0x1, s0;
	s10 =	simm.s32 @!p1 $0x7A00;
	_ =	swait.ge [sflag:s18], $0x2800  }
0xe4: {  	s5 =	simm.s32 @!p1 $0x0;
	s3 =	sshll.u32 @!p1 s29, $0x4;
	[sflag:s18] =	ssyncset.done $0x0  }
0xe5: {  	s3 =	sadd.s32 @!p1 s11, s3;
	p2 =	sne.s32 s0, $0x7D;
	[sflag:s18] =	ssyncadd.s32 $0xFFFFD800  }
0xe6: {  	[hbm4b:s3+s5] =	stream.linear.scatter @!p1 [tilespmem:s10], [sflag:$0x2], $0x2800, $0x38;
	[tilespmem:$0x16A90] =	vst v63  }
.Ltmp1:
0xe7: {  	_ = 	snop;
	(pc) =	sbr.rel @p2 .LBB2_2-.Ltmp1, $4  }
0xe8: {  	s3 =	simm.s32 @!p1 $0x2  }
0xe9: {  	_ =	swait.ge @!p1 [sflag:s3], $0x2800  }
0xea: {  	[sflag:s3] =	ssyncset.done @!p1 $0x0  }
0xeb: {  	[sflag:s3] =	ssyncadd.s32 @!p1 $0xFFFFD800  }
0xec: {  	s0 =	simm.s32 $0x0;
	s3 =	rddreg [dreg:$0x6]  }
0xed: {  	[tilespmem:s26], [sflag:$0x2] =	stream.linear.gather [hbm4b:s3+s0], $0x140, $0x38;
	[tilespmem:$0x16A90] =	vst v63  }
0xee: {  	_ =	swait.ge [sflag:s28], $0x140  }
0xef: {  	[sflag:s28] =	ssyncset.done $0x0  }
0xf0: {  	s5 =	simm.s32 $0x140;
	s15 =	rddreg [dreg:$0x4];
	[sflag:s28] =	ssyncadd.s32 $0xFFFFFEC0  }
0xf1: {  	[tilespmem:s30], [sflag:$0x1] =	stream.indirect.gather [hbm4b:s15+s5], $0x80, s26, s5, $0xb8;
	[tilespmem:$0x16A90] =	vst v63  }
0xf2: {  	_ =	swait.ge [sflag:s24], $0xA000  }
0xf3: {  	[sflag:s24] =	ssyncset.done $0x0  }
0xf4: {  	s29 =	rddreg [dreg:$0x7];
	[sflag:s24] =	ssyncadd.s32 $0xFFFF6000  }
0xf5: {  	[hbm4b:s29+s0] =	stream.linear.scatter [tilespmem:s30], [sflag:$0x2], $0xA000, $0x38;
	[tilespmem:$0x16A90] =	vst v63  }
0xf6: {  	_ =	swait.ge [sflag:s28], $0xA000  }
0xf7: {  	[sflag:s28] =	ssyncset.done $0x0  }
0xf8: {  	[sflag:s28] =	ssyncadd.s32 $0xFFFF6000  }
0xf9: {  	s31 =	sadd.s32 $0x1, s31;
	[bflag:$0x0] =	sbarrier.arrive $0xFFFF  }
0xfa: {  	p1 =	sne.s32 s31, s16;
	s0 =	simm.s32 @!p0 $0x1C02;
	s3 =	rddreg [dreg:$0x8]  }
0xfb: {  	[hbm:s3], [sflag:s0] =	dma.local @!p0 [spmem:s17], $0x4E20  }
.Ltmp2:
0xfc: {  	_ = 	snop;
	(pc) =	sbr.rel @p1 .LBB2_1-.Ltmp2, $4  }
0xfd: {  	s0 =	simm.s32 @!p0 $0x2  }
0xfe: {  	_ =	swait.ge @!p0 [sflag:s0], $0x4E20  }
0xff: {  	[sflag:s0] =	ssyncset.done @!p0 $0x0  }
0x100: {  	[sflag:s0] =	ssyncadd.s32 @!p0 $0xFFFFB1E0  }
0x101: {  	_ =	sfence.sel $0x180000  }
0x102: {  	[bflag:$0x0] =	sbarrier.arrive $0xFFFF  }
0x103: {  	_ =	strace $0x90000047  }
0x104: {  	[bflag:$0x2] =	sbarrier.arrive $0xFFFF  }
0x105: {  	s0 =	rddreg [dreg:$0x3]  }
0x106: {  	s0 =	sadd.s32 @!p0 $0x100000, s0  }
0x107: {  	[sflag:s0] =	ssyncadd.tile.s32 @!p0 $0x1;
	_ =	shalt  }
.Lfunc_end2:
_tile_overlayer_lowered:
.L_overlay_start_2:
0x108: {  	(tag) =	ssettag $0x2  }
0x109: {  	s0 =	rddreg [dreg:$0x0];
	s2 =	stileid.u32  }
0x10a: {  	s1 =	rddreg [dreg:$0x1];
	p0 =	sne.s32 s2, $0x0  }
0x10b: {  	s3 =	rddreg [dreg:$0x2];
	[bflag:$0x3] =	sbarrier.arrive $0xFFFF;
	s2 =	simm.s32 @!p0 $0x1C02  }
0x10c: {  	[timem:s3], [sflag:s2] =	dma.local @!p0 [hbm:s0], s1  }
0x10d: {  	s0 =	simm.s32 @!p0 $0x2  }
0x10e: {  	_ =	swait.ge @!p0 [sflag:s0], s1  }
0x10f: {  	s1 =	ssub.s32 @!p0 $0x0, s1;
	[sflag:s0] =	ssyncset.done @!p0 $0x0  }
0x110: {  	[sflag:s0] =	ssyncadd.s32 @!p0 s1  }
0x111: {  	[bflag:$0x3] =	sbarrier.arrive $0xFFFF  }
0x112: {  	_ =	shalt  }

// kernel: kernel.9.cloned.1.call-start
scs
__scs_entry_jumppad:
0x0: {  	(pc) =	sbr.rel $0x88, $3  }
0x1: {  	(tag) =	ssettag $0x0;
	lr =	simm.s32 $0x1  }
0x2: {  	[smem:$0x3F8E] =	sst lr;
	_ =	strace $0xD0000000  }
0x3: {  	_ = 	snop  }
0x4: {  	_ = 	snop  }
0x5: {  	_ = 	snop  }
0x6: {  	_ = 	snop  }
0x7: {  	_ = 	snop  }
__scs_overlays_trampoline_lowered:
0x8: {  	[smem:$0x3F9D] =	sst s0  }
0x9: {  	[smem:$0x3F9E] =	sst s1  }
0xa: {  	[smem:$0x3F9F] =	sst s2  }
0xb: {  	[smem:$0x3FA0] =	sst s3  }
0xc: {  	[smem:$0x3FA1] =	sst s4  }
0xd: {  	[smem:$0x3FA2] =	sst s5  }
0xe: {  	[smem:$0x3FA3] =	sst s6  }
0xf: {  	[smem:$0x3FA4] =	sst s7  }
0x10: {  	[smem:$0x3FA5] =	sst s8  }
0x11: {  	[smem:$0x3FA6] =	sst s9;
	s0 =	simm.s32 @!p0 $0x0  }
0x12: {  	s1 =	sld [smem:$0x3F8C];
	s0 =	simm.s32 @p0 $0x1  }
0x13: {  	[smem:$0x3FA7] =	sst s0;
	s0 =	simm.s32 @!p1 $0x0  }
0x14: {  	s2 =	sld [smem:$0x3F8B];
	s0 =	simm.s32 @p1 $0x1  }
0x15: {  	[smem:$0x3FA8] =	sst s0;
	s0 =	simm.s32 @!p2 $0x0  }
0x16: {  	s3 =	sld [smem:$0x3FDB];
	s0 =	simm.s32 @p2 $0x1  }
0x17: {  	s4 =	simm.s32 $0x1BF5;
	[smem:$0x3FAA] =	sst s0  }
0x18: {  	s0 =	sld [smem:$0x3F8D];
	_ =	swait.ge [sflag:s4], $0x0  }
0x19: {  	s7 =	sld [smem:$0x3F8E]  }
0x1a: {  	s8 =	sadd.s32 $0xFFFFE003, lr  }
0x1b: {  	s9 =	sadd.s32 $0xFFFFFEF7, lr;
	s5 =	simm.s32 $0xFFFFFFFF;
	p2 =	slt.u32 s8, $0xFFFFF086  }
0x1c: {  	p1 =	slt.u32 s9, $0xF7A;
	s5 =	simm.s32 @!p2 $0x0  }
0x1d: {  	s5 =	simm.s32 @p1 $0x1;
	p0 =	seq.s32 s7, s2  }
0x1e: {  	s7 =	smul.u32 @!p0 $0xF7A, s2;
	p2 =	seq.s32 @!p0 s5, $0x0  }
0x1f: {  	s9 =	smul.u32 $0xF7A, s1;
	s8 =	simm.s32 @!p0 $0x1BF5;
	p2 =	por !p2, p0  }
0x20: {  	[sflag:s8] =	ssyncset.s32 @!p0 $0xFFFFF086;
	s6 =	sadd.s32 @!p0 s3, s7;
	s7 =	simm.s32 @!p0 $0x108  }
0x21: {  	s3 =	sadd.s32 s3, s9;
	s6 =	sadd.s32 @!p0 $0x88, s6;
	s7 =	simm.s32 @p2 $0x1082  }
0x22: {  	[simem:s7], [sflag:s8] =	dma.local @!p0 [hbm:s6], $0xF7A  }
0x23: {  	s9 =	sor.u32 $0xD0000000, s2;
	s6 =	simm.s32 $0x108;
	_ =	swait.ge @!p0 [sflag:s8], $0x0  }
0x24: {  	s3 =	sadd.s32 $0x88, s3;
	s6 =	simm.s32 @!p1 $0x1082;
	[sflag:s4] =	ssyncset.s32 $0xFFFFF086  }
0x25: {  	[simem:s6], [sflag:s4] =	dma.local [hbm:s3], $0xF7A  }
0x26: {  	[smem:$0x3F8E] =	sst s1;
	(tag) =	ssettag s2;
	_ =	strace s9  }
0x27: {  	s1 =	sld [smem:$0x3F9E]  }
0x28: {  	s2 =	sld [smem:$0x3F9F]  }
0x29: {  	s4 =	sld [smem:$0x3FA1]  }
0x2a: {  	p0 =	seq.s32 s5, $0x0;
	s5 =	sld [smem:$0x3FA2]  }
0x2b: {  	s6 =	sld [smem:$0x3FA3]  }
0x2c: {  	s7 =	sld [smem:$0x3FA4]  }
0x2d: {  	s3 =	simm.s32 $0x108;
	s8 =	sld [smem:$0x3FA5]  }
0x2e: {  	s3 =	simm.s32 @!p0 $0x1082;
	s9 =	sld [smem:$0x3FA6]  }
0x2f: {  	lr =	sadd.s32 s0, s3;
	s0 =	sld [smem:$0x3F9D]  }
0x30: {  	s3 =	sld [smem:$0x3FA0]  }
0x31: {  	[smem:$0x3FA9] =	sst s10  }
0x32: {  	s10 =	sld [smem:$0x3FA7];
	_ =	sdelay $0x3  }
0x33: {  	p0 =	seq.s32 s10, $0x1;
	s10 =	sld [smem:$0x3FA9];
	_ =	sdelay $0x3  }
0x34: {  	[smem:$0x3FA9] =	sst s10  }
0x35: {  	s10 =	sld [smem:$0x3FA8];
	_ =	sdelay $0x3  }
0x36: {  	p1 =	seq.s32 s10, $0x1;
	s10 =	sld [smem:$0x3FA9];
	_ =	sdelay $0x3  }
0x37: {  	[smem:$0x3FA9] =	sst s10  }
0x38: {  	s10 =	sld [smem:$0x3FAA]  }
0x39: {  	_ = 	snop;
	(pc) =	sbr.ind lr, $3  }
0x3a: {  	_ = 	snop  }
0x3b: {  	_ = 	snop  }
0x3c: {  	p2 =	seq.s32 s10, $0x1;
	s10 =	sld [smem:$0x3FA9]  }
0x3d: {  	_ =	shalt  }
0x3e: {  	_ =	shalt  }
0x3f: {  	_ =	shalt  }
0x40: {  	_ =	shalt  }
0x41: {  	_ =	shalt  }
0x42: {  	_ =	shalt  }
0x43: {  	_ =	shalt  }
0x44: {  	_ =	shalt  }
0x45: {  	_ =	shalt  }
0x46: {  	_ =	shalt  }
0x47: {  	_ =	shalt  }
0x48: {  	_ =	shalt  }
0x49: {  	_ =	shalt  }
0x4a: {  	_ =	shalt  }
0x4b: {  	_ =	shalt  }
0x4c: {  	_ =	shalt  }
0x4d: {  	_ =	shalt  }
0x4e: {  	_ =	shalt  }
0x4f: {  	_ =	shalt  }
0x50: {  	_ =	shalt  }
0x51: {  	_ =	shalt  }
0x52: {  	_ =	shalt  }
0x53: {  	_ =	shalt  }
0x54: {  	_ =	shalt  }
0x55: {  	_ =	shalt  }
0x56: {  	_ =	shalt  }
0x57: {  	_ =	shalt  }
0x58: {  	_ =	shalt  }
0x59: {  	_ =	shalt  }
0x5a: {  	_ =	shalt  }
0x5b: {  	_ =	shalt  }
0x5c: {  	_ =	shalt  }
0x5d: {  	_ =	shalt  }
0x5e: {  	_ =	shalt  }
0x5f: {  	_ =	shalt  }
0x60: {  	_ =	shalt  }
0x61: {  	_ =	shalt  }
0x62: {  	_ =	shalt  }
0x63: {  	_ =	shalt  }
0x64: {  	_ =	shalt  }
0x65: {  	_ =	shalt  }
0x66: {  	_ =	shalt  }
0x67: {  	_ =	shalt  }
0x68: {  	_ =	shalt  }
0x69: {  	_ =	shalt  }
0x6a: {  	_ =	shalt  }
0x6b: {  	_ =	shalt  }
0x6c: {  	_ =	shalt  }
0x6d: {  	_ =	shalt  }
0x6e: {  	_ =	shalt  }
0x6f: {  	_ =	shalt  }
0x70: {  	_ =	shalt  }
0x71: {  	_ =	shalt  }
0x72: {  	_ =	shalt  }
0x73: {  	_ =	shalt  }
0x74: {  	_ =	shalt  }
0x75: {  	_ =	shalt  }
0x76: {  	_ =	shalt  }
0x77: {  	_ =	shalt  }
0x78: {  	_ =	shalt  }
0x79: {  	_ =	shalt  }
0x7a: {  	_ =	shalt  }
0x7b: {  	_ =	shalt  }
0x7c: {  	_ =	shalt  }
0x7d: {  	_ =	shalt  }
0x7e: {  	_ =	shalt  }
0x7f: {  	_ =	shalt  }
0x80: {  	_ =	shalt  }
0x81: {  	_ =	shalt  }
0x82: {  	_ =	shalt  }
0x83: {  	_ =	shalt  }
0x84: {  	_ =	shalt  }
0x85: {  	_ =	shalt  }
0x86: {  	_ =	shalt  }
0x87: {  	_ =	shalt  }
.Lfunc_end0:
.L_simem_size_0:
called_computation.1_lowered:
.L_overlay_start_0:
0x88: {  	s2 =	sld [smem:$0x3FD9]  }
0x89: {  	s3 =	sld [smem:$0x3FFE];
	_ =	sdelay $0x1  }
0x8a: {  	s1 =	srdreg.scid  }
0x8b: {  	s0 =	sand.u32 $0x1, s1  }
0x8c: {  	s17 =	sshll.u32 s0, $0xA;
	s2 =	sadd.s32 s3, s2  }
0x8d: {  	s2 =	sadd.s32 s2, s17  }
0x8e: {  	[smem:$0x3FB5] =	sst s2  }
0x8f: {  	_ = 	snop  }
0x90: {  	s2 =	sld [smem:$0x3FD0];
	(tm) =	ssettm $0x1  }
0x91: {  	s18 =	sld [smem:$0x3FFB];
	_ =	sdelay $0x3  }
0x92: {  	_ =	strace s18  }
0x93: {  	s3 =	sld [smem:$0x3FFC];
	_ =	sdelay $0x3  }
0x94: {  	_ =	strace s3  }
0x95: {  	s3 =	sld [smem:$0x3FFD];
	_ =	sdelay $0x3  }
0x96: {  	_ =	strace s3  }
0x97: {  	_ =	strace $0x8FFFFFFF  }
0x98: {  	s19 =	sld [smem:$0x3FDB];
	_ =	sdelay $0x1  }
0x99: {  	s4 =	simm.s32 $_scs_section_size  }
0x9a: {  	s5 =	simm.s32 $_size__tile_overlayer_lowered;
	s6 =	simm.s32 $_tile_overlayer_lowered  }
0x9b: {  	s22 =	simm.s32 $0x1BFF;
	s21 =	sshll.u32 s6, $0x1;
	s3 =	sadd.s32 s4, s19  }
0x9c: {  	s7 =	simm.s32 $0x0;
	s20 =	sshll.u32 s5, $0x1;
	s5 =	sadd.s32 s21, s3  }
0x9d: {  	[timem:s7], [sflag:s22] =	dma.local [hbm:s5], s20  }
0x9e: {  	_ =	swait.ge [sflag:s22], s20  }
0x9f: {  	s4 =	ssub.s32 $0x0, s20;
	[sflag:s22] =	ssyncset.done $0x0  }
0xa0: {  	[sflag:s22] =	ssyncadd.s32 s4;
	_ =	sdelay $0x1  }
0xa1: {  	s23 =	simm.s32 $0x1B8B  }
0xa2: {  	_ =	swait.ge [sflag:s23], $0x1  }
0xa3: {  	[sflag:s23] =	ssyncset.done $0x0  }
0xa4: {  	s25 =	simm.s32 $0x1B8E;
	s24 =	sld [smem:$0x3FFE];
	[sflag:s23] =	ssyncadd.s32 $0xFFFFFFFF  }
0xa5: {  	s26 =	simm.s32 $execute0_lowered;
	[smem:$0x3FD2] =	sst s25  }
0xa6: {  	s5 =	sshll.u32 s26, $0x1;
	_ =	strace $0x80000049;
	[dreg:$0x1] =	wrdreg $0xFFFFFFFF  }
0xa7: {  	s28 =	simm.s32 $_size_execute0_lowered;
	s3 =	sadd.s32 s3, s5;
	[dreg:$0x0] =	wrdreg $0x0  }
0xa8: {  	s5 =	sshll.u32 s28, $0x1;
	[dreg:$0x2] =	wrdreg s3  }
0xa9: {  	[dreg:$0x3] =	wrdreg s5  }
0xaa: {  	[dreg:$0x4] =	wrdreg $0xC0  }
0xab: {  	_ =	task [dreg:s7], $0x5FFFF  }
0xac: {  	[dreg:$0x1] =	wrdreg $0xFFFFFFFF  }
0xad: {  	[dreg:$0x0] =	wrdreg $0x60  }
0xae: {  	[dreg:$0x2] =	wrdreg s2  }
0xaf: {  	[dreg:$0x3] =	wrdreg s24  }
0xb0: {  	[dreg:$0x4] =	wrdreg $0x9  }
0xb1: {  	_ =	task.clear_ibuf [dreg:s7], $0x5FFFF;
	_ =	strace $0x90000049  }
0xb2: {  	s29 =	simm.s32 $0x9;
	_ =	strace $0x8000004B  }
0xb3: {  	_ =	swait.ge [sflag:s29], $0x1  }
0xb4: {  	[sflag:s29] =	ssyncadd.s32 $0xFFFFFFFF  }
0xb5: {  	_ =	strace $0x9000004B  }
0xb6: {  	_ =	sfence  }
0xb7: {  	s30 =	sld [smem:$0x0];
	_ =	sdelay $0x2  }
0xb8: {  	s31 =	sshll.u32 s1, $0xD;
	s1 =	sshrl.u32 s1, $0x2  }
0xb9: {  	s3 =	sand.u32 $0x4000, s31;
	s1 =	sadd.s32 s1, s30  }
0xba: {  	s0 =	sor.u32 s3, s0;
	s1 =	sshll.u32 s1, $0x11  }
0xbb: {  	s0 =	sor.u32 s1, s0  }
0xbc: {  	s0 =	sadd.s32 $0x8F2B, s0  }
0xbd: {  	[sflag:s0] =	ssyncadd.remote.s32 $0x1  }
0xbe: {  	_ =	sfence.sel $0xFFFF  }
0xbf: {  	[dreg:$0x0] =	wrdreg $0xFFFFFFFF;
	(pc) =	sbr.abs _section_cstart, $3  }
0xc0: {  	[dreg:$0x1] =	wrdreg $0xFFFFFFFF  }
0xc1: {  	_ =	task.clear_ibuf [dreg:s7], $0x2FFFF;
	_ =	strace $0x9FFFFFFF  }
0xc2: {  	(tm) =	ssettm $0x7FFFFFFF  }
0xc3: {  	_ =	shalt  }
tec
execute0_lowered:
.L_overlay_start_1:
0x0: {  	(tag) =	ssettag $0x1  }
0x1: {  	s1 =	srdreg.scid;
	s2 =	rddreg [dreg:$0x0]  }
0x2: {  	s0 =	stileid.u32;
	s5 =	rddreg [dreg:$0x1]  }
0x3: {  	s3 =	simm.s32 $0x0;
	s10 =	simm.s32 $0x180;
	s11 =	simm.s32 $0x1  }
0x4: {  	s12 =	simm.s32 $0xA180;
	s4 =	sand.u32 $0x1, s1;
	s31 =	sshll.u32 s0, $0x1  }
0x5: {  	s13 =	simm.s32 $0x0;
	s1 =	rddreg [dreg:$0x2];
	s6 =	sor.u32 s4, s31  }
0x6: {  	[smem:$0x7FF] =	sst s3;
	s8 =	ssub.s32 $0x2, s4;
	s7 =	smul.u32 $0x28, s6  }
0x7: {  	_ =	strace $0x8000004A;
	s6 =	smul.u32 $0x1400, s6;
	s9 =	sshrl.u32 s8, $0x1  }
0x8: {  	s4 =	sadd.s32 $0x5E00, s5;
	s8 =	ssub.s32 s8, s9;
	s7 =	sadd.s32 s7, s5  }
0x9: {  	s9 =	simm.s32 $0x140;
	s6 =	sadd.s32 s6, s5;
	s5 =	sadd.s32 $0x2DC00, s7  }
0xa: {  	s6 =	sadd.s32 $0x2E200, s6;
	s7 =	smax.u32 s8, $0x1;
	s8 =	simm.s32 $0x2  }
.LBB2_1:
0xb: {  	[tilespmem:s3], [sflag:$0x2] =	stream.linear.gather [hbm4b:s5+s3], $0x140, $0x38;
	[tilespmem:$0x14180] =	vst v63  }
0xc: {  	_ =	swait.ge [sflag:s8], $0x140  }
0xd: {  	[sflag:s8] =	ssyncset.done $0x0  }
0xe: {  	[sflag:s8] =	ssyncadd.s32 $0xFFFFFEC0  }
0xf: {  	[tilespmem:s10], [sflag:$0x1] =	stream.indirect.gather [hbm4b:s2+s9], $0x80, s3, s9, $0xb8;
	[tilespmem:$0x14180] =	vst v63  }
0x10: {  	_ =	swait.ge [sflag:s11], $0xA000  }
0x11: {  	[sflag:s11] =	ssyncset.done $0x0  }
0x12: {  	[sflag:s11] =	ssyncadd.s32 $0xFFFF6000  }
0x13: {  	[tilespmem:s12], [sflag:$0x1] =	stream.indirect.gather [hbm4b:s4+s9], $0x80, s3, s9, $0xb8;
	[tilespmem:$0x14180] =	vst v63  }
0x14: {  	_ =	swait.ge [sflag:s11], $0xA000  }
0x15: {  	[sflag:s11] =	ssyncset.done $0x0  }
0x16: {  	s14 =	simm.s32 $0x0;
	[sflag:s11] =	ssyncadd.s32 $0xFFFF6000  }
0x17: {  	v6 =	vld [tilespmem:s14+$0xA180]  }
0x18: {  	v11 =	vld [tilespmem:s14+$0xA190]  }
0x19: {  	v5 =	vld [tilespmem:s14+$0xA1A0]  }
0x1a: {  	v4 =	vld [tilespmem:s14+$0xA1B0]  }
0x1b: {  	v3 =	vld [tilespmem:s14+$0xA1C0]  }
0x1c: {  	v2 =	vld [tilespmem:s14+$0xA1D0]  }
0x1d: {  	v1 =	vld [tilespmem:s14+$0xA1E0]  }
0x1e: {  	v0 =	vld [tilespmem:s14+$0xA1F0]  }
0x1f: {  	v12 =	vld [tilespmem:s14+$0x180]  }
0x20: {  	v13 =	vld [tilespmem:s14+$0x190]  }
0x21: {  	v10 =	vld [tilespmem:s14+$0x1A0]  }
0x22: {  	v9 =	vld [tilespmem:s14+$0x1B0]  }
0x23: {  	v8 =	vld [tilespmem:s14+$0x1C0]  }
0x24: {  	v7 =	vld [tilespmem:s14+$0x1D0];
	v12 =	vadd.f32 v6, v12  }
0x25: {  	s15 =	simm.s32 $0x200;
	v6 =	vld [tilespmem:s14+$0x1E0];
	v11 =	vadd.f32 v11, v13  }
.LBB2_2:
0x26: {  	s16 =	sshra.s32 s15, $0x2;
	p0 =	sne.s32 s15, $0x27E00;
	v13 =	vld [tilespmem:s14+$0x1F0];
	v5 =	vadd.f32 v5, v10;
	[tilespmem:s14+$0x180] =	vst v12  }
0x27: {  	v12 =	vld [tilespmem:s16+$0xA180];
	v4 =	vadd.f32 v4, v9;
	[tilespmem:s14+$0x190] =	vst v11  }
0x28: {  	v11 =	vld [tilespmem:s16+$0xA190];
	v3 =	vadd.f32 v3, v8;
	[tilespmem:s14+$0x1A0] =	vst v5  }
0x29: {  	v5 =	vld [tilespmem:s16+$0xA1A0];
	v2 =	vadd.f32 v2, v7;
	[tilespmem:s14+$0x1B0] =	vst v4  }
0x2a: {  	v4 =	vld [tilespmem:s16+$0xA1B0];
	v1 =	vadd.f32 v1, v6;
	[tilespmem:s14+$0x1C0] =	vst v3  }
0x2b: {  	v3 =	vld [tilespmem:s16+$0xA1C0];
	v0 =	vadd.f32 v0, v13;
	[tilespmem:s14+$0x1D0] =	vst v2  }
0x2c: {  	v2 =	vld [tilespmem:s16+$0xA1D0];
	[tilespmem:s14+$0x1E0] =	vst v1  }
0x2d: {  	v1 =	vld [tilespmem:s16+$0xA1E0];
	[tilespmem:s14+$0x1F0] =	vst v0;
	s14 =	smov.u32 s16  }
0x2e: {  	v0 =	vld [tilespmem:s14+$0xA1F0]  }
0x2f: {  	v6 =	vld [tilespmem:s14+$0x180]  }
0x30: {  	v13 =	vld [tilespmem:s14+$0x190]  }
.Ltmp0:
0x31: {  	v10 =	vld [tilespmem:s14+$0x1A0];
	(pc) =	sbr.rel @p0 .LBB2_2-.Ltmp0, $4  }
0x32: {  	v9 =	vld [tilespmem:s14+$0x1B0]  }
0x33: {  	v8 =	vld [tilespmem:s14+$0x1C0]  }
0x34: {  	v7 =	vld [tilespmem:s14+$0x1D0];
	v12 =	vadd.f32 v12, v6  }
0x35: {  	s15 =	sadd.s32 $0x200, s15;
	v6 =	vld [tilespmem:s14+$0x1E0];
	v11 =	vadd.f32 v11, v13  }
0x36: {  	v13 =	vld [tilespmem:s14+$0x1F0];
	v5 =	vadd.f32 v5, v10;
	[tilespmem:s14+$0x180] =	vst v12  }
0x37: {  	v4 =	vadd.f32 v4, v9;
	[tilespmem:s14+$0x190] =	vst v11  }
0x38: {  	v3 =	vadd.f32 v3, v8;
	[tilespmem:s14+$0x1A0] =	vst v5  }
0x39: {  	v2 =	vadd.f32 v2, v7;
	[tilespmem:s14+$0x1B0] =	vst v4  }
0x3a: {  	v1 =	vadd.f32 v1, v6;
	[tilespmem:s14+$0x1C0] =	vst v3  }
0x3b: {  	s13 =	sadd.s32 $0x1, s13;
	v0 =	vadd.f32 v0, v13;
	[tilespmem:s14+$0x1D0] =	vst v2  }
0x3c: {  	p0 =	sne.s32 s13, s7;
	[tilespmem:s14+$0x1E0] =	vst v1  }
.Ltmp1:
0x3d: {  	[tilespmem:s14+$0x1F0] =	vst v0;
	(pc) =	sbr.rel @p0 .LBB2_1-.Ltmp1, $4  }
0x3e: {  	[hbm4b:s6+s3] =	stream.linear.scatter [tilespmem:s10], [sflag:$0x2], $0xA000, $0x38;
	[tilespmem:$0x14180] =	vst v63  }
0x3f: {  	_ =	swait.ge [sflag:s8], $0xA000  }
0x40: {  	[sflag:s8] =	ssyncset.done $0x0  }
0x41: {  	[sflag:s8] =	ssyncadd.s32 $0xFFFF6000  }
0x42: {  	_ =	sfence.sel $0x180000  }
0x43: {  	[bflag:$0x0] =	sbarrier.arrive $0xFFFF  }
0x44: {  	p0 =	sne.s32 s0, $0x0;
	_ =	strace $0x9000004A  }
0x45: {  	s0 =	sadd.s32 @!p0 $0x100000, s1;
	[bflag:$0x2] =	sbarrier.arrive $0xFFFF  }
0x46: {  	[sflag:s0] =	ssyncadd.tile.s32 @!p0 $0x1;
	_ =	shalt  }
.Lfunc_end2:
_tile_overlayer_lowered:
.L_overlay_start_2:
0x47: {  	(tag) =	ssettag $0x2  }
0x48: {  	s0 =	rddreg [dreg:$0x0];
	s2 =	stileid.u32  }
0x49: {  	s1 =	rddreg [dreg:$0x1];
	p0 =	sne.s32 s2, $0x0  }
0x4a: {  	s3 =	rddreg [dreg:$0x2];
	[bflag:$0x3] =	sbarrier.arrive $0xFFFF;
	s2 =	simm.s32 @!p0 $0x1C02  }
0x4b: {  	[timem:s3], [sflag:s2] =	dma.local @!p0 [hbm:s0], s1  }
0x4c: {  	s0 =	simm.s32 @!p0 $0x2  }
0x4d: {  	_ =	swait.ge @!p0 [sflag:s0], s1  }
0x4e: {  	s1 =	ssub.s32 @!p0 $0x0, s1;
	[sflag:s0] =	ssyncset.done @!p0 $0x0  }
0x4f: {  	[sflag:s0] =	ssyncadd.s32 @!p0 s1  }
0x50: {  	[bflag:$0x3] =	sbarrier.arrive $0xFFFF  }
0x51: {  	_ =	shalt  }

</sc_bundles>
